<compile_context>
chip_gen: v7x
topology: tpu7x:2x2x1
jax: 0.10.2.dev20260603
libtpu: 0.0.44.dev20260713+nightly
codegen_flags: <defaults>
</compile_context>

<pallas_src>
import functools

import jax
import jax.numpy as jnp
from jax import lax
from jax.experimental import pallas as pl
from jax.experimental.pallas import tpu as pltpu
from jax.experimental.pallas import tpu_sc as plsc

D = 64
L_SEQ = 200
NBUF = 6


def _make_kernel(batch, nc, ns):
    nw = nc * ns
    seq_per_w = batch // nw
    n_groups = (seq_per_w + NBUF - 1) // NBUF
    mesh = plsc.VectorSubcoreMesh(core_axis_name="c", subcore_axis_name="s")

    @functools.partial(
        pl.kernel,
        out_type=jax.ShapeDtypeStruct((batch, L_SEQ, D), jnp.float32),
        mesh=mesh,
        scratch_types=[
            pltpu.VMEM((L_SEQ, D), jnp.float32),
            pltpu.VMEM((seq_per_w, L_SEQ), jnp.int32),
            [pltpu.VMEM((L_SEQ, D), jnp.float32) for _ in range(NBUF)],
            [pltpu.SemaphoreType.DMA for _ in range(NBUF)],
            [pltpu.SemaphoreType.DMA for _ in range(NBUF)],
        ],
        compiler_params=pltpu.CompilerParams(use_tc_tiling_on_sc=False),
    )
    def emb_kernel(x_hbm, wt_hbm, pos_hbm, out_hbm, pos_v, x_v, rows,
                   gsem, osem):
        wid = lax.axis_index("s") * nc + lax.axis_index("c")
        base = wid * seq_per_w
        pltpu.sync_copy(x_hbm.at[pl.ds(base, seq_per_w)], x_v)
        pltpu.sync_copy(pos_hbm, pos_v)

        def gather(g, b):
            pltpu.make_async_copy(
                wt_hbm.at[x_v.at[g]], rows[b], gsem[b]).start()

        def wait_gather(g, b):
            pltpu.make_async_copy(
                wt_hbm.at[x_v.at[g]], rows[b], gsem[b]).wait()

        def wait_scatter(b):
            pltpu.make_async_copy(
                rows[b], out_hbm.at[base], osem[b]).wait()

        def step(g, b):
            wait_gather(g, b)

            def add_pos(l, c):
                for kk in range(D // 16):
                    sl = pl.ds(kk * 16, 16)
                    rows[b][l, sl] = rows[b][l, sl] + pos_v[l, sl]
                return c

            lax.fori_loop(0, L_SEQ, add_pos, 0)
            pltpu.make_async_copy(
                rows[b], out_hbm.at[base + g], osem[b]).start()

            gn = g + NBUF - 2
            bn = (b + NBUF - 2) % NBUF

            @pl.when(gn < seq_per_w)
            def _():
                @pl.when(g >= 2)
                def _():
                    wait_scatter(bn)
                gather(gn, bn)

        for g in range(NBUF - 2):
            gather(g, g)

        def group_body(i, c):
            for j in range(NBUF):
                g = i * NBUF + j

                @pl.when(g < seq_per_w)
                def _():
                    step(g, j)
            return c

        lax.fori_loop(0, n_groups, group_body, 0)
        for b in range(NBUF):
            wait_scatter(b)

    return emb_kernel


def kernel(x, word_table, pos_table):
    batch = x.shape[0]
    try:
        info = plsc.get_sparse_core_info()
        nc, ns = info.num_cores, info.num_subcores
    except Exception:
        nc, ns = 2, 16
    return _make_kernel(batch, nc, ns)(
        x.astype(jnp.int32), word_table, pos_table)

# --- scband reference (transcript-rebuilt; emitter-appended) ---
"""Pipeline reference for scband-main-embadding-41077067219529 (READ-ONLY COPY).

The authoritative reference and input builder live on the scoring server;
editing this copy changes nothing except your own understanding.
"""

import jax, jax.numpy as jnp
import numpy as np

VOCAB = 1000000
D_EMB = 64
MAX_SEQ = 200
BATCH = 4096

def setup_inputs(seed: int = 0) -> dict:
    key = jax.random.key(seed)
    k1, k2, k3 = jax.random.split(key, 3)
    x = jax.random.randint(k1, (BATCH, MAX_SEQ), 0, VOCAB, dtype=jnp.int64 if jax.config.jax_enable_x64 else jnp.int32)
    word_table = jax.random.normal(k2, (VOCAB, D_EMB), dtype=jnp.float32)
    pos_table = jax.random.normal(k3, (MAX_SEQ, D_EMB), dtype=jnp.float32)
    return {"x": x, "word_table": word_table, "pos_table": pos_table}

def reference(x, word_table, pos_table):
    emb1 = jnp.take(word_table, x, axis=0)            # [B, L, D]
    emb2 = jnp.take(pos_table, jnp.arange(MAX_SEQ), axis=0)  # [L, D]
    return emb1 + emb2[None, :, :]

if __name__ == "__main__":
    import jax
    _d = setup_inputs()
    print(jax.jit(kernel)(*tuple(_d.values())))

</pallas_src>

<mosaic_0001>
#map = affine_map<(d0, d1) -> (0, 0)>
#map1 = affine_map<(d0, d1) -> (0, 0, 0)>
module attributes {stable_mosaic.version = 14 : i64} {
  func.func @emb_kernel(%arg0: i32, %arg1: i32, %arg2: memref<4096x200xi32, #tpu.memory_space<hbm>>, %arg3: memref<1000000x64xf32, #tpu.memory_space<hbm>>, %arg4: memref<200x64xf32, #tpu.memory_space<hbm>>, %arg5: memref<4096x200x64xf32, #tpu.memory_space<hbm>>, %arg6: memref<200x64xf32, #tpu.memory_space<vmem>>, %arg7: memref<128x200xi32, #tpu.memory_space<vmem>>, %arg8: memref<200x64xf32, #tpu.memory_space<vmem>>, %arg9: memref<200x64xf32, #tpu.memory_space<vmem>>, %arg10: memref<200x64xf32, #tpu.memory_space<vmem>>, %arg11: memref<200x64xf32, #tpu.memory_space<vmem>>, %arg12: memref<200x64xf32, #tpu.memory_space<vmem>>, %arg13: memref<200x64xf32, #tpu.memory_space<vmem>>, %arg14: memref<!tpu.dma_semaphore, #tpu.memory_space<semaphore_mem>>, %arg15: memref<!tpu.dma_semaphore, #tpu.memory_space<semaphore_mem>>, %arg16: memref<!tpu.dma_semaphore, #tpu.memory_space<semaphore_mem>>, %arg17: memref<!tpu.dma_semaphore, #tpu.memory_space<semaphore_mem>>, %arg18: memref<!tpu.dma_semaphore, #tpu.memory_space<semaphore_mem>>, %arg19: memref<!tpu.dma_semaphore, #tpu.memory_space<semaphore_mem>>, %arg20: memref<!tpu.dma_semaphore, #tpu.memory_space<semaphore_mem>>, %arg21: memref<!tpu.dma_semaphore, #tpu.memory_space<semaphore_mem>>, %arg22: memref<!tpu.dma_semaphore, #tpu.memory_space<semaphore_mem>>, %arg23: memref<!tpu.dma_semaphore, #tpu.memory_space<semaphore_mem>>, %arg24: memref<!tpu.dma_semaphore, #tpu.memory_space<semaphore_mem>>, %arg25: memref<!tpu.dma_semaphore, #tpu.memory_space<semaphore_mem>>) attributes {dimension_semantics = [#tpu.dimension_semantics<core_parallel>, #tpu.dimension_semantics<subcore_parallel>], iteration_bounds = array<i64: 2, 16>, scalar_prefetch = 0 : i64, scratch_operands = 20 : i64, tpu.core_type = #tpu.core_type<sc_vector_subcore>, window_params = [{transform_indices = #map}, {transform_indices = #map}, {transform_indices = #map}, {transform_indices = #map1}]} {
    %mul3A = arith.constant 2 : i32
    %mul3A_0 = arith.muli %arg1, %mul3A : i32
    %add3A = arith.addi %mul3A_0, %arg0 : i32
    %mul3A_1 = arith.constant 128 : i32
    %mul3A_2 = arith.muli %add3A, %mul3A_1 : i32
    "tpu.region"() ({
      %run_scoped3A = tpu.sem_alloc : memref<!tpu.dma_semaphore, #tpu.memory_space<semaphore_mem>>
      %dma_start3A_82 = arith.constant 0 : i32
      %dma_start3A_83 = tpu.memref_slice %arg2[%mul3A_2, %dma_start3A_82] : memref<4096x200xi32, #tpu.memory_space<hbm>> -> memref<128x200xi32, #tpu.memory_space<hbm>>
      %dma_start3A_84 = arith.constant 0 : i32
      %dma_start3A_85 = tpu.memref_slice %arg2[%mul3A_2, %dma_start3A_84] : memref<4096x200xi32, #tpu.memory_space<hbm>> -> memref<128x200xi32, #tpu.memory_space<hbm>>
      tpu.enqueue_dma source(%dma_start3A_85 : memref<128x200xi32, #tpu.memory_space<hbm>>) target(%arg7 : memref<128x200xi32, #tpu.memory_space<vmem>>) target_semaphore(%run_scoped3A : memref<!tpu.dma_semaphore, #tpu.memory_space<semaphore_mem>>)
      %dma_wait3A_86 = arith.constant 0 : i32
      %dma_wait3A_87 = tpu.memref_slice %arg2[%mul3A_2, %dma_wait3A_86] : memref<4096x200xi32, #tpu.memory_space<hbm>> -> memref<128x200xi32, #tpu.memory_space<hbm>>
      %dma_wait3A_88 = arith.constant 0 : i32
      %dma_wait3A_89 = tpu.memref_slice %arg2[%mul3A_2, %dma_wait3A_88] : memref<4096x200xi32, #tpu.memory_space<hbm>> -> memref<128x200xi32, #tpu.memory_space<hbm>>
      tpu.wait_dma2 semaphore(%run_scoped3A : memref<!tpu.dma_semaphore, #tpu.memory_space<semaphore_mem>>) src(%dma_wait3A_89 : memref<128x200xi32, #tpu.memory_space<hbm>>) dst(%arg7 : memref<128x200xi32, #tpu.memory_space<vmem>>)
      tpu.yield
    }) : () -> ()
    "tpu.region"() ({
      %run_scoped3A = tpu.sem_alloc : memref<!tpu.dma_semaphore, #tpu.memory_space<semaphore_mem>>
      tpu.enqueue_dma source(%arg4 : memref<200x64xf32, #tpu.memory_space<hbm>>) target(%arg6 : memref<200x64xf32, #tpu.memory_space<vmem>>) target_semaphore(%run_scoped3A : memref<!tpu.dma_semaphore, #tpu.memory_space<semaphore_mem>>)
      tpu.wait_dma2 semaphore(%run_scoped3A : memref<!tpu.dma_semaphore, #tpu.memory_space<semaphore_mem>>) src(%arg4 : memref<200x64xf32, #tpu.memory_space<hbm>>) dst(%arg6 : memref<200x64xf32, #tpu.memory_space<vmem>>)
      tpu.yield
    }) : () -> ()
    %dma_start3A = arith.constant 0 : i32
    %dma_start3A_3 = arith.constant 0 : i32
    %dma_start3A_4 = tpu.memref_slice %arg7[%dma_start3A, %dma_start3A_3] : memref<128x200xi32, #tpu.memory_space<vmem>> -> memref<1x200xi32, #tpu.memory_space<vmem>>
    %dma_start3A_5 = tpu.memref_squeeze %dma_start3A_4 : memref<1x200xi32, #tpu.memory_space<vmem>> -> memref<200xi32, #tpu.memory_space<vmem>>
    %dma_start3A_6 = arith.constant 0 : i32
    %dma_start3A_7 = arith.constant 0 : i32
    %dma_start3A_8 = tpu.memref_slice %arg3[%dma_start3A_6, %dma_start3A_7] : memref<1000000x64xf32, #tpu.memory_space<hbm>> -> memref<1000000x64xf32, #tpu.memory_space<hbm>>
    tpu.enqueue_indirect_dma source(%dma_start3A_8 : memref<1000000x64xf32, #tpu.memory_space<hbm>>) target(%arg8 : memref<200x64xf32, #tpu.memory_space<vmem>>) offsets(%dma_start3A_5 : memref<200xi32, #tpu.memory_space<vmem>>) semaphore(%arg14 : memref<!tpu.dma_semaphore, #tpu.memory_space<semaphore_mem>>)
    %dma_start3A_9 = arith.constant 1 : i32
    %dma_start3A_10 = arith.constant 0 : i32
    %dma_start3A_11 = tpu.memref_slice %arg7[%dma_start3A_9, %dma_start3A_10] : memref<128x200xi32, #tpu.memory_space<vmem>> -> memref<1x200xi32, #tpu.memory_space<vmem>>
    %dma_start3A_12 = tpu.memref_squeeze %dma_start3A_11 : memref<1x200xi32, #tpu.memory_space<vmem>> -> memref<200xi32, #tpu.memory_space<vmem>>
    %dma_start3A_13 = arith.constant 0 : i32
    %dma_start3A_14 = arith.constant 0 : i32
    %dma_start3A_15 = tpu.memref_slice %arg3[%dma_start3A_13, %dma_start3A_14] : memref<1000000x64xf32, #tpu.memory_space<hbm>> -> memref<1000000x64xf32, #tpu.memory_space<hbm>>
    tpu.enqueue_indirect_dma source(%dma_start3A_15 : memref<1000000x64xf32, #tpu.memory_space<hbm>>) target(%arg9 : memref<200x64xf32, #tpu.memory_space<vmem>>) offsets(%dma_start3A_12 : memref<200xi32, #tpu.memory_space<vmem>>) semaphore(%arg15 : memref<!tpu.dma_semaphore, #tpu.memory_space<semaphore_mem>>)
    %dma_start3A_16 = arith.constant 2 : i32
    %dma_start3A_17 = arith.constant 0 : i32
    %dma_start3A_18 = tpu.memref_slice %arg7[%dma_start3A_16, %dma_start3A_17] : memref<128x200xi32, #tpu.memory_space<vmem>> -> memref<1x200xi32, #tpu.memory_space<vmem>>
    %dma_start3A_19 = tpu.memref_squeeze %dma_start3A_18 : memref<1x200xi32, #tpu.memory_space<vmem>> -> memref<200xi32, #tpu.memory_space<vmem>>
    %dma_start3A_20 = arith.constant 0 : i32
    %dma_start3A_21 = arith.constant 0 : i32
    %dma_start3A_22 = tpu.memref_slice %arg3[%dma_start3A_20, %dma_start3A_21] : memref<1000000x64xf32, #tpu.memory_space<hbm>> -> memref<1000000x64xf32, #tpu.memory_space<hbm>>
    tpu.enqueue_indirect_dma source(%dma_start3A_22 : memref<1000000x64xf32, #tpu.memory_space<hbm>>) target(%arg10 : memref<200x64xf32, #tpu.memory_space<vmem>>) offsets(%dma_start3A_19 : memref<200xi32, #tpu.memory_space<vmem>>) semaphore(%arg16 : memref<!tpu.dma_semaphore, #tpu.memory_space<semaphore_mem>>)
    %dma_start3A_23 = arith.constant 3 : i32
    %dma_start3A_24 = arith.constant 0 : i32
    %dma_start3A_25 = tpu.memref_slice %arg7[%dma_start3A_23, %dma_start3A_24] : memref<128x200xi32, #tpu.memory_space<vmem>> -> memref<1x200xi32, #tpu.memory_space<vmem>>
    %dma_start3A_26 = tpu.memref_squeeze %dma_start3A_25 : memref<1x200xi32, #tpu.memory_space<vmem>> -> memref<200xi32, #tpu.memory_space<vmem>>
    %dma_start3A_27 = arith.constant 0 : i32
    %dma_start3A_28 = arith.constant 0 : i32
    %dma_start3A_29 = tpu.memref_slice %arg3[%dma_start3A_27, %dma_start3A_28] : memref<1000000x64xf32, #tpu.memory_space<hbm>> -> memref<1000000x64xf32, #tpu.memory_space<hbm>>
    tpu.enqueue_indirect_dma source(%dma_start3A_29 : memref<1000000x64xf32, #tpu.memory_space<hbm>>) target(%arg11 : memref<200x64xf32, #tpu.memory_space<vmem>>) offsets(%dma_start3A_26 : memref<200xi32, #tpu.memory_space<vmem>>) semaphore(%arg17 : memref<!tpu.dma_semaphore, #tpu.memory_space<semaphore_mem>>)
    %scan3A = arith.constant 0 : i32
    %scan3A_30 = arith.constant 0 : i32
    %scan3A_31 = arith.constant 22 : i32
    %scan3A_32 = arith.addi %scan3A_30, %scan3A_31 : i32
    %scan3A_33 = arith.constant 1 : i32
    scf.for %scan3A_82 = %scan3A_30 to %scan3A_32 step %scan3A_33  : i32 {
      %mul3A_83 = arith.constant 6 : i32
      %mul3A_84 = arith.muli %scan3A_82, %mul3A_83 : i32
      %add3A_85 = arith.constant 0 : i32
      %add3A_86 = arith.addi %mul3A_84, %add3A_85 : i32
      %lt3A = arith.constant 128 : i32
      %lt3A_87 = arith.cmpi slt, %add3A_86, %lt3A : i32
      %convert_element_type3A = arith.extui %lt3A_87 : i1 to i32
      %cond3A = arith.constant 0 : i32
      %cond3A_88 = arith.cmpi ne, %convert_element_type3A, %cond3A : i32
      scf.if %cond3A_88 {
        %dma_wait3A_134 = arith.constant 0 : i32
        %dma_wait3A_135 = tpu.memref_slice %arg7[%add3A_86, %dma_wait3A_134] : memref<128x200xi32, #tpu.memory_space<vmem>> -> memref<1x200xi32, #tpu.memory_space<vmem>>
        %dma_wait3A_136 = tpu.memref_squeeze %dma_wait3A_135 : memref<1x200xi32, #tpu.memory_space<vmem>> -> memref<200xi32, #tpu.memory_space<vmem>>
        %dma_wait3A_137 = arith.constant 0 : i32
        %dma_wait3A_138 = arith.constant 0 : i32
        %dma_wait3A_139 = tpu.memref_slice %arg3[%dma_wait3A_137, %dma_wait3A_138] : memref<1000000x64xf32, #tpu.memory_space<hbm>> -> memref<1000000x64xf32, #tpu.memory_space<hbm>>
        tpu.wait_indirect_dma semaphore(%arg14 : memref<!tpu.dma_semaphore, #tpu.memory_space<semaphore_mem>>) src(%dma_wait3A_139 : memref<1000000x64xf32, #tpu.memory_space<hbm>>) dst(%arg8 : memref<200x64xf32, #tpu.memory_space<vmem>>)
        %scan3A_140 = arith.constant 0 : i32
        %scan3A_141 = arith.constant 0 : i32
        %scan3A_142 = arith.constant 200 : i32
        %scan3A_143 = arith.addi %scan3A_141, %scan3A_142 : i32
        %scan3A_144 = arith.constant 1 : i32
        scf.for %scan3A_163 = %scan3A_141 to %scan3A_143 step %scan3A_144  : i32 {
          %get3A = arith.index_cast %scan3A_163 : i32 to index
          %get3A_164 = arith.constant 0 : index
          %get3A_165 = tpu.vector_load %arg8[%get3A, %get3A_164] {strides = array<i32>} : memref<200x64xf32, #tpu.memory_space<vmem>>, vector<1x16xf32>,
          %get3A_166 = vector.shape_cast %get3A_165 : vector<1x16xf32> to vector<16xf32>
          %get3A_167 = arith.index_cast %scan3A_163 : i32 to index
          %get3A_168 = arith.constant 0 : index
          %get3A_169 = tpu.vector_load %arg6[%get3A_167, %get3A_168] {strides = array<i32>} : memref<200x64xf32, #tpu.memory_space<vmem>>, vector<1x16xf32>,
          %get3A_170 = vector.shape_cast %get3A_169 : vector<1x16xf32> to vector<16xf32>
          %add3A_171 = arith.addf %get3A_166, %get3A_170 : vector<16xf32>
          %swap3A = arith.index_cast %scan3A_163 : i32 to index
          %swap3A_172 = arith.constant 0 : index
          %swap3A_173 = tpu.vector_load %arg8[%swap3A, %swap3A_172] {strides = array<i32>} : memref<200x64xf32, #tpu.memory_space<vmem>>, vector<1x16xf32>,
          %swap3A_174 = vector.shape_cast %swap3A_173 : vector<1x16xf32> to vector<16xf32>
          %swap3A_175 = vector.shape_cast %add3A_171 : vector<16xf32> to vector<1x16xf32>
          tpu.vector_store %arg8[%swap3A, %swap3A_172], %swap3A_175 {strides = array<i32>} : memref<200x64xf32, #tpu.memory_space<vmem>>, vector<1x16xf32>,
          %get3A_176 = arith.index_cast %scan3A_163 : i32 to index
          %get3A_177 = arith.constant 16 : index
          %get3A_178 = tpu.vector_load %arg8[%get3A_176, %get3A_177] {strides = array<i32>} : memref<200x64xf32, #tpu.memory_space<vmem>>, vector<1x16xf32>,
          %get3A_179 = vector.shape_cast %get3A_178 : vector<1x16xf32> to vector<16xf32>
          %get3A_180 = arith.index_cast %scan3A_163 : i32 to index
          %get3A_181 = arith.constant 16 : index
          %get3A_182 = tpu.vector_load %arg6[%get3A_180, %get3A_181] {strides = array<i32>} : memref<200x64xf32, #tpu.memory_space<vmem>>, vector<1x16xf32>,
          %get3A_183 = vector.shape_cast %get3A_182 : vector<1x16xf32> to vector<16xf32>
          %add3A_184 = arith.addf %get3A_179, %get3A_183 : vector<16xf32>
          %swap3A_185 = arith.index_cast %scan3A_163 : i32 to index
          %swap3A_186 = arith.constant 16 : index
          %swap3A_187 = tpu.vector_load %arg8[%swap3A_185, %swap3A_186] {strides = array<i32>} : memref<200x64xf32, #tpu.memory_space<vmem>>, vector<1x16xf32>,
          %swap3A_188 = vector.shape_cast %swap3A_187 : vector<1x16xf32> to vector<16xf32>
          %swap3A_189 = vector.shape_cast %add3A_184 : vector<16xf32> to vector<1x16xf32>
          tpu.vector_store %arg8[%swap3A_185, %swap3A_186], %swap3A_189 {strides = array<i32>} : memref<200x64xf32, #tpu.memory_space<vmem>>, vector<1x16xf32>,
          %get3A_190 = arith.index_cast %scan3A_163 : i32 to index
          %get3A_191 = arith.constant 32 : index
          %get3A_192 = tpu.vector_load %arg8[%get3A_190, %get3A_191] {strides = array<i32>} : memref<200x64xf32, #tpu.memory_space<vmem>>, vector<1x16xf32>,
          %get3A_193 = vector.shape_cast %get3A_192 : vector<1x16xf32> to vector<16xf32>
          %get3A_194 = arith.index_cast %scan3A_163 : i32 to index
          %get3A_195 = arith.constant 32 : index
          %get3A_196 = tpu.vector_load %arg6[%get3A_194, %get3A_195] {strides = array<i32>} : memref<200x64xf32, #tpu.memory_space<vmem>>, vector<1x16xf32>,
          %get3A_197 = vector.shape_cast %get3A_196 : vector<1x16xf32> to vector<16xf32>
          %add3A_198 = arith.addf %get3A_193, %get3A_197 : vector<16xf32>
          %swap3A_199 = arith.index_cast %scan3A_163 : i32 to index
          %swap3A_200 = arith.constant 32 : index
          %swap3A_201 = tpu.vector_load %arg8[%swap3A_199, %swap3A_200] {strides = array<i32>} : memref<200x64xf32, #tpu.memory_space<vmem>>, vector<1x16xf32>,
          %swap3A_202 = vector.shape_cast %swap3A_201 : vector<1x16xf32> to vector<16xf32>
          %swap3A_203 = vector.shape_cast %add3A_198 : vector<16xf32> to vector<1x16xf32>
          tpu.vector_store %arg8[%swap3A_199, %swap3A_200], %swap3A_203 {strides = array<i32>} : memref<200x64xf32, #tpu.memory_space<vmem>>, vector<1x16xf32>,
          %get3A_204 = arith.index_cast %scan3A_163 : i32 to index
          %get3A_205 = arith.constant 48 : index
          %get3A_206 = tpu.vector_load %arg8[%get3A_204, %get3A_205] {strides = array<i32>} : memref<200x64xf32, #tpu.memory_space<vmem>>, vector<1x16xf32>,
          %get3A_207 = vector.shape_cast %get3A_206 : vector<1x16xf32> to vector<16xf32>
          %get3A_208 = arith.index_cast %scan3A_163 : i32 to index
          %get3A_209 = arith.constant 48 : index
          %get3A_210 = tpu.vector_load %arg6[%get3A_208, %get3A_209] {strides = array<i32>} : memref<200x64xf32, #tpu.memory_space<vmem>>, vector<1x16xf32>,
          %get3A_211 = vector.shape_cast %get3A_210 : vector<1x16xf32> to vector<16xf32>
          %add3A_212 = arith.addf %get3A_207, %get3A_211 : vector<16xf32>
          %swap3A_213 = arith.index_cast %scan3A_163 : i32 to index
          %swap3A_214 = arith.constant 48 : index
          %swap3A_215 = tpu.vector_load %arg8[%swap3A_213, %swap3A_214] {strides = array<i32>} : memref<200x64xf32, #tpu.memory_space<vmem>>, vector<1x16xf32>,
          %swap3A_216 = vector.shape_cast %swap3A_215 : vector<1x16xf32> to vector<16xf32>
          %swap3A_217 = vector.shape_cast %add3A_212 : vector<16xf32> to vector<1x16xf32>
          tpu.vector_store %arg8[%swap3A_213, %swap3A_214], %swap3A_217 {strides = array<i32>} : memref<200x64xf32, #tpu.memory_space<vmem>>, vector<1x16xf32>,
        }
        %scan3A_145 = arith.constant 200 : i32
        %add3A_146 = arith.addi %mul3A_2, %add3A_86 : i32
        %dma_start3A_147 = arith.constant 0 : i32
        %dma_start3A_148 = arith.constant 0 : i32
        %dma_start3A_149 = tpu.memref_slice %arg5[%add3A_146, %dma_start3A_147, %dma_start3A_148] : memref<4096x200x64xf32, #tpu.memory_space<hbm>> -> memref<1x200x64xf32, #tpu.memory_space<hbm>>
        %dma_start3A_150 = tpu.memref_squeeze %dma_start3A_149 : memref<1x200x64xf32, #tpu.memory_space<hbm>> -> memref<200x64xf32, #tpu.memory_space<hbm>>
        %dma_start3A_151 = arith.constant 0 : i32
        %dma_start3A_152 = arith.constant 0 : i32
        %dma_start3A_153 = tpu.memref_slice %arg5[%add3A_146, %dma_start3A_151, %dma_start3A_152] : memref<4096x200x64xf32, #tpu.memory_space<hbm>> -> memref<1x200x64xf32, #tpu.memory_space<hbm>>
        %dma_start3A_154 = tpu.memref_squeeze %dma_start3A_153 : memref<1x200x64xf32, #tpu.memory_space<hbm>> -> memref<200x64xf32, #tpu.memory_space<hbm>>
        tpu.enqueue_dma source(%arg8 : memref<200x64xf32, #tpu.memory_space<vmem>>) target(%dma_start3A_154 : memref<200x64xf32, #tpu.memory_space<hbm>>) target_semaphore(%arg20 : memref<!tpu.dma_semaphore, #tpu.memory_space<semaphore_mem>>)
        %add3A_155 = arith.constant 6 : i32
        %add3A_156 = arith.addi %add3A_86, %add3A_155 : i32
        %sub3A = arith.constant 2 : i32
        %sub3A_157 = arith.subi %add3A_156, %sub3A : i32
        %lt3A_158 = arith.constant 128 : i32
        %lt3A_159 = arith.cmpi slt, %sub3A_157, %lt3A_158 : i32
        %convert_element_type3A_160 = arith.extui %lt3A_159 : i1 to i32
        %cond3A_161 = arith.constant 0 : i32
        %cond3A_162 = arith.cmpi ne, %convert_element_type3A_160, %cond3A_161 : i32
        scf.if %cond3A_162 {
          %ge3A = arith.constant 2 : i32
          %ge3A_163 = arith.cmpi sge, %add3A_86, %ge3A : i32
          %convert_element_type3A_164 = arith.extui %ge3A_163 : i1 to i32
          %cond3A_165 = arith.constant 0 : i32
          %cond3A_166 = arith.cmpi ne, %convert_element_type3A_164, %cond3A_165 : i32
          scf.if %cond3A_166 {
            %dma_wait3A_173 = arith.constant 0 : i32
            %dma_wait3A_174 = arith.constant 0 : i32
            %dma_wait3A_175 = tpu.memref_slice %arg5[%mul3A_2, %dma_wait3A_173, %dma_wait3A_174] : memref<4096x200x64xf32, #tpu.memory_space<hbm>> -> memref<1x200x64xf32, #tpu.memory_space<hbm>>
            %dma_wait3A_176 = tpu.memref_squeeze %dma_wait3A_175 : memref<1x200x64xf32, #tpu.memory_space<hbm>> -> memref<200x64xf32, #tpu.memory_space<hbm>>
            %dma_wait3A_177 = arith.constant 0 : i32
            %dma_wait3A_178 = arith.constant 0 : i32
            %dma_wait3A_179 = tpu.memref_slice %arg5[%mul3A_2, %dma_wait3A_177, %dma_wait3A_178] : memref<4096x200x64xf32, #tpu.memory_space<hbm>> -> memref<1x200x64xf32, #tpu.memory_space<hbm>>
            %dma_wait3A_180 = tpu.memref_squeeze %dma_wait3A_179 : memref<1x200x64xf32, #tpu.memory_space<hbm>> -> memref<200x64xf32, #tpu.memory_space<hbm>>
            tpu.wait_dma2 semaphore(%arg24 : memref<!tpu.dma_semaphore, #tpu.memory_space<semaphore_mem>>) src(%arg12 : memref<200x64xf32, #tpu.memory_space<vmem>>) dst(%dma_wait3A_180 : memref<200x64xf32, #tpu.memory_space<hbm>>)
          } else {
          }
          %dma_start3A_167 = arith.constant 0 : i32
          %dma_start3A_168 = tpu.memref_slice %arg7[%sub3A_157, %dma_start3A_167] : memref<128x200xi32, #tpu.memory_space<vmem>> -> memref<1x200xi32, #tpu.memory_space<vmem>>
          %dma_start3A_169 = tpu.memref_squeeze %dma_start3A_168 : memref<1x200xi32, #tpu.memory_space<vmem>> -> memref<200xi32, #tpu.memory_space<vmem>>
          %dma_start3A_170 = arith.constant 0 : i32
          %dma_start3A_171 = arith.constant 0 : i32
          %dma_start3A_172 = tpu.memref_slice %arg3[%dma_start3A_170, %dma_start3A_171] : memref<1000000x64xf32, #tpu.memory_space<hbm>> -> memref<1000000x64xf32, #tpu.memory_space<hbm>>
          tpu.enqueue_indirect_dma source(%dma_start3A_172 : memref<1000000x64xf32, #tpu.memory_space<hbm>>) target(%arg12 : memref<200x64xf32, #tpu.memory_space<vmem>>) offsets(%dma_start3A_169 : memref<200xi32, #tpu.memory_space<vmem>>) semaphore(%arg18 : memref<!tpu.dma_semaphore, #tpu.memory_space<semaphore_mem>>)
        } else {
        }
      } else {
      }
      %mul3A_89 = arith.constant 6 : i32
      %mul3A_90 = arith.muli %scan3A_82, %mul3A_89 : i32
      %add3A_91 = arith.constant 1 : i32
      %add3A_92 = arith.addi %mul3A_90, %add3A_91 : i32
      %lt3A_93 = arith.constant 128 : i32
      %lt3A_94 = arith.cmpi slt, %add3A_92, %lt3A_93 : i32
      %convert_element_type3A_95 = arith.extui %lt3A_94 : i1 to i32
      %cond3A_96 = arith.constant 0 : i32
      %cond3A_97 = arith.cmpi ne, %convert_element_type3A_95, %cond3A_96 : i32
      scf.if %cond3A_97 {
        %dma_wait3A_134 = arith.constant 0 : i32
        %dma_wait3A_135 = tpu.memref_slice %arg7[%add3A_92, %dma_wait3A_134] : memref<128x200xi32, #tpu.memory_space<vmem>> -> memref<1x200xi32, #tpu.memory_space<vmem>>
        %dma_wait3A_136 = tpu.memref_squeeze %dma_wait3A_135 : memref<1x200xi32, #tpu.memory_space<vmem>> -> memref<200xi32, #tpu.memory_space<vmem>>
        %dma_wait3A_137 = arith.constant 0 : i32
        %dma_wait3A_138 = arith.constant 0 : i32
        %dma_wait3A_139 = tpu.memref_slice %arg3[%dma_wait3A_137, %dma_wait3A_138] : memref<1000000x64xf32, #tpu.memory_space<hbm>> -> memref<1000000x64xf32, #tpu.memory_space<hbm>>
        tpu.wait_indirect_dma semaphore(%arg15 : memref<!tpu.dma_semaphore, #tpu.memory_space<semaphore_mem>>) src(%dma_wait3A_139 : memref<1000000x64xf32, #tpu.memory_space<hbm>>) dst(%arg9 : memref<200x64xf32, #tpu.memory_space<vmem>>)
        %scan3A_140 = arith.constant 0 : i32
        %scan3A_141 = arith.constant 0 : i32
        %scan3A_142 = arith.constant 200 : i32
        %scan3A_143 = arith.addi %scan3A_141, %scan3A_142 : i32
        %scan3A_144 = arith.constant 1 : i32
        scf.for %scan3A_163 = %scan3A_141 to %scan3A_143 step %scan3A_144  : i32 {
          %get3A = arith.index_cast %scan3A_163 : i32 to index
          %get3A_164 = arith.constant 0 : index
          %get3A_165 = tpu.vector_load %arg9[%get3A, %get3A_164] {strides = array<i32>} : memref<200x64xf32, #tpu.memory_space<vmem>>, vector<1x16xf32>,
          %get3A_166 = vector.shape_cast %get3A_165 : vector<1x16xf32> to vector<16xf32>
          %get3A_167 = arith.index_cast %scan3A_163 : i32 to index
          %get3A_168 = arith.constant 0 : index
          %get3A_169 = tpu.vector_load %arg6[%get3A_167, %get3A_168] {strides = array<i32>} : memref<200x64xf32, #tpu.memory_space<vmem>>, vector<1x16xf32>,
          %get3A_170 = vector.shape_cast %get3A_169 : vector<1x16xf32> to vector<16xf32>
          %add3A_171 = arith.addf %get3A_166, %get3A_170 : vector<16xf32>
          %swap3A = arith.index_cast %scan3A_163 : i32 to index
          %swap3A_172 = arith.constant 0 : index
          %swap3A_173 = tpu.vector_load %arg9[%swap3A, %swap3A_172] {strides = array<i32>} : memref<200x64xf32, #tpu.memory_space<vmem>>, vector<1x16xf32>,
          %swap3A_174 = vector.shape_cast %swap3A_173 : vector<1x16xf32> to vector<16xf32>
          %swap3A_175 = vector.shape_cast %add3A_171 : vector<16xf32> to vector<1x16xf32>
          tpu.vector_store %arg9[%swap3A, %swap3A_172], %swap3A_175 {strides = array<i32>} : memref<200x64xf32, #tpu.memory_space<vmem>>, vector<1x16xf32>,
          %get3A_176 = arith.index_cast %scan3A_163 : i32 to index
          %get3A_177 = arith.constant 16 : index
          %get3A_178 = tpu.vector_load %arg9[%get3A_176, %get3A_177] {strides = array<i32>} : memref<200x64xf32, #tpu.memory_space<vmem>>, vector<1x16xf32>,
          %get3A_179 = vector.shape_cast %get3A_178 : vector<1x16xf32> to vector<16xf32>
          %get3A_180 = arith.index_cast %scan3A_163 : i32 to index
          %get3A_181 = arith.constant 16 : index
          %get3A_182 = tpu.vector_load %arg6[%get3A_180, %get3A_181] {strides = array<i32>} : memref<200x64xf32, #tpu.memory_space<vmem>>, vector<1x16xf32>,
          %get3A_183 = vector.shape_cast %get3A_182 : vector<1x16xf32> to vector<16xf32>
          %add3A_184 = arith.addf %get3A_179, %get3A_183 : vector<16xf32>
          %swap3A_185 = arith.index_cast %scan3A_163 : i32 to index
          %swap3A_186 = arith.constant 16 : index
          %swap3A_187 = tpu.vector_load %arg9[%swap3A_185, %swap3A_186] {strides = array<i32>} : memref<200x64xf32, #tpu.memory_space<vmem>>, vector<1x16xf32>,
          %swap3A_188 = vector.shape_cast %swap3A_187 : vector<1x16xf32> to vector<16xf32>
          %swap3A_189 = vector.shape_cast %add3A_184 : vector<16xf32> to vector<1x16xf32>
          tpu.vector_store %arg9[%swap3A_185, %swap3A_186], %swap3A_189 {strides = array<i32>} : memref<200x64xf32, #tpu.memory_space<vmem>>, vector<1x16xf32>,
          %get3A_190 = arith.index_cast %scan3A_163 : i32 to index
          %get3A_191 = arith.constant 32 : index
          %get3A_192 = tpu.vector_load %arg9[%get3A_190, %get3A_191] {strides = array<i32>} : memref<200x64xf32, #tpu.memory_space<vmem>>, vector<1x16xf32>,
          %get3A_193 = vector.shape_cast %get3A_192 : vector<1x16xf32> to vector<16xf32>
          %get3A_194 = arith.index_cast %scan3A_163 : i32 to index
          %get3A_195 = arith.constant 32 : index
          %get3A_196 = tpu.vector_load %arg6[%get3A_194, %get3A_195] {strides = array<i32>} : memref<200x64xf32, #tpu.memory_space<vmem>>, vector<1x16xf32>,
          %get3A_197 = vector.shape_cast %get3A_196 : vector<1x16xf32> to vector<16xf32>
          %add3A_198 = arith.addf %get3A_193, %get3A_197 : vector<16xf32>
          %swap3A_199 = arith.index_cast %scan3A_163 : i32 to index
          %swap3A_200 = arith.constant 32 : index
          %swap3A_201 = tpu.vector_load %arg9[%swap3A_199, %swap3A_200] {strides = array<i32>} : memref<200x64xf32, #tpu.memory_space<vmem>>, vector<1x16xf32>,
          %swap3A_202 = vector.shape_cast %swap3A_201 : vector<1x16xf32> to vector<16xf32>
          %swap3A_203 = vector.shape_cast %add3A_198 : vector<16xf32> to vector<1x16xf32>
          tpu.vector_store %arg9[%swap3A_199, %swap3A_200], %swap3A_203 {strides = array<i32>} : memref<200x64xf32, #tpu.memory_space<vmem>>, vector<1x16xf32>,
          %get3A_204 = arith.index_cast %scan3A_163 : i32 to index
          %get3A_205 = arith.constant 48 : index
          %get3A_206 = tpu.vector_load %arg9[%get3A_204, %get3A_205] {strides = array<i32>} : memref<200x64xf32, #tpu.memory_space<vmem>>, vector<1x16xf32>,
          %get3A_207 = vector.shape_cast %get3A_206 : vector<1x16xf32> to vector<16xf32>
          %get3A_208 = arith.index_cast %scan3A_163 : i32 to index
          %get3A_209 = arith.constant 48 : index
          %get3A_210 = tpu.vector_load %arg6[%get3A_208, %get3A_209] {strides = array<i32>} : memref<200x64xf32, #tpu.memory_space<vmem>>, vector<1x16xf32>,
          %get3A_211 = vector.shape_cast %get3A_210 : vector<1x16xf32> to vector<16xf32>
          %add3A_212 = arith.addf %get3A_207, %get3A_211 : vector<16xf32>
          %swap3A_213 = arith.index_cast %scan3A_163 : i32 to index
          %swap3A_214 = arith.constant 48 : index
          %swap3A_215 = tpu.vector_load %arg9[%swap3A_213, %swap3A_214] {strides = array<i32>} : memref<200x64xf32, #tpu.memory_space<vmem>>, vector<1x16xf32>,
          %swap3A_216 = vector.shape_cast %swap3A_215 : vector<1x16xf32> to vector<16xf32>
          %swap3A_217 = vector.shape_cast %add3A_212 : vector<16xf32> to vector<1x16xf32>
          tpu.vector_store %arg9[%swap3A_213, %swap3A_214], %swap3A_217 {strides = array<i32>} : memref<200x64xf32, #tpu.memory_space<vmem>>, vector<1x16xf32>,
        }
        %scan3A_145 = arith.constant 200 : i32
        %add3A_146 = arith.addi %mul3A_2, %add3A_92 : i32
        %dma_start3A_147 = arith.constant 0 : i32
        %dma_start3A_148 = arith.constant 0 : i32
        %dma_start3A_149 = tpu.memref_slice %arg5[%add3A_146, %dma_start3A_147, %dma_start3A_148] : memref<4096x200x64xf32, #tpu.memory_space<hbm>> -> memref<1x200x64xf32, #tpu.memory_space<hbm>>
        %dma_start3A_150 = tpu.memref_squeeze %dma_start3A_149 : memref<1x200x64xf32, #tpu.memory_space<hbm>> -> memref<200x64xf32, #tpu.memory_space<hbm>>
        %dma_start3A_151 = arith.constant 0 : i32
        %dma_start3A_152 = arith.constant 0 : i32
        %dma_start3A_153 = tpu.memref_slice %arg5[%add3A_146, %dma_start3A_151, %dma_start3A_152] : memref<4096x200x64xf32, #tpu.memory_space<hbm>> -> memref<1x200x64xf32, #tpu.memory_space<hbm>>
        %dma_start3A_154 = tpu.memref_squeeze %dma_start3A_153 : memref<1x200x64xf32, #tpu.memory_space<hbm>> -> memref<200x64xf32, #tpu.memory_space<hbm>>
        tpu.enqueue_dma source(%arg9 : memref<200x64xf32, #tpu.memory_space<vmem>>) target(%dma_start3A_154 : memref<200x64xf32, #tpu.memory_space<hbm>>) target_semaphore(%arg21 : memref<!tpu.dma_semaphore, #tpu.memory_space<semaphore_mem>>)
        %add3A_155 = arith.constant 6 : i32
        %add3A_156 = arith.addi %add3A_92, %add3A_155 : i32
        %sub3A = arith.constant 2 : i32
        %sub3A_157 = arith.subi %add3A_156, %sub3A : i32
        %lt3A_158 = arith.constant 128 : i32
        %lt3A_159 = arith.cmpi slt, %sub3A_157, %lt3A_158 : i32
        %convert_element_type3A_160 = arith.extui %lt3A_159 : i1 to i32
        %cond3A_161 = arith.constant 0 : i32
        %cond3A_162 = arith.cmpi ne, %convert_element_type3A_160, %cond3A_161 : i32
        scf.if %cond3A_162 {
          %ge3A = arith.constant 2 : i32
          %ge3A_163 = arith.cmpi sge, %add3A_92, %ge3A : i32
          %convert_element_type3A_164 = arith.extui %ge3A_163 : i1 to i32
          %cond3A_165 = arith.constant 0 : i32
          %cond3A_166 = arith.cmpi ne, %convert_element_type3A_164, %cond3A_165 : i32
          scf.if %cond3A_166 {
            %dma_wait3A_173 = arith.constant 0 : i32
            %dma_wait3A_174 = arith.constant 0 : i32
            %dma_wait3A_175 = tpu.memref_slice %arg5[%mul3A_2, %dma_wait3A_173, %dma_wait3A_174] : memref<4096x200x64xf32, #tpu.memory_space<hbm>> -> memref<1x200x64xf32, #tpu.memory_space<hbm>>
            %dma_wait3A_176 = tpu.memref_squeeze %dma_wait3A_175 : memref<1x200x64xf32, #tpu.memory_space<hbm>> -> memref<200x64xf32, #tpu.memory_space<hbm>>
            %dma_wait3A_177 = arith.constant 0 : i32
            %dma_wait3A_178 = arith.constant 0 : i32
            %dma_wait3A_179 = tpu.memref_slice %arg5[%mul3A_2, %dma_wait3A_177, %dma_wait3A_178] : memref<4096x200x64xf32, #tpu.memory_space<hbm>> -> memref<1x200x64xf32, #tpu.memory_space<hbm>>
            %dma_wait3A_180 = tpu.memref_squeeze %dma_wait3A_179 : memref<1x200x64xf32, #tpu.memory_space<hbm>> -> memref<200x64xf32, #tpu.memory_space<hbm>>
            tpu.wait_dma2 semaphore(%arg25 : memref<!tpu.dma_semaphore, #tpu.memory_space<semaphore_mem>>) src(%arg13 : memref<200x64xf32, #tpu.memory_space<vmem>>) dst(%dma_wait3A_180 : memref<200x64xf32, #tpu.memory_space<hbm>>)
          } else {
          }
          %dma_start3A_167 = arith.constant 0 : i32
          %dma_start3A_168 = tpu.memref_slice %arg7[%sub3A_157, %dma_start3A_167] : memref<128x200xi32, #tpu.memory_space<vmem>> -> memref<1x200xi32, #tpu.memory_space<vmem>>
          %dma_start3A_169 = tpu.memref_squeeze %dma_start3A_168 : memref<1x200xi32, #tpu.memory_space<vmem>> -> memref<200xi32, #tpu.memory_space<vmem>>
          %dma_start3A_170 = arith.constant 0 : i32
          %dma_start3A_171 = arith.constant 0 : i32
          %dma_start3A_172 = tpu.memref_slice %arg3[%dma_start3A_170, %dma_start3A_171] : memref<1000000x64xf32, #tpu.memory_space<hbm>> -> memref<1000000x64xf32, #tpu.memory_space<hbm>>
          tpu.enqueue_indirect_dma source(%dma_start3A_172 : memref<1000000x64xf32, #tpu.memory_space<hbm>>) target(%arg13 : memref<200x64xf32, #tpu.memory_space<vmem>>) offsets(%dma_start3A_169 : memref<200xi32, #tpu.memory_space<vmem>>) semaphore(%arg19 : memref<!tpu.dma_semaphore, #tpu.memory_space<semaphore_mem>>)
        } else {
        }
      } else {
      }
      %mul3A_98 = arith.constant 6 : i32
      %mul3A_99 = arith.muli %scan3A_82, %mul3A_98 : i32
      %add3A_100 = arith.constant 2 : i32
      %add3A_101 = arith.addi %mul3A_99, %add3A_100 : i32
      %lt3A_102 = arith.constant 128 : i32
      %lt3A_103 = arith.cmpi slt, %add3A_101, %lt3A_102 : i32
      %convert_element_type3A_104 = arith.extui %lt3A_103 : i1 to i32
      %cond3A_105 = arith.constant 0 : i32
      %cond3A_106 = arith.cmpi ne, %convert_element_type3A_104, %cond3A_105 : i32
      scf.if %cond3A_106 {
        %dma_wait3A_134 = arith.constant 0 : i32
        %dma_wait3A_135 = tpu.memref_slice %arg7[%add3A_101, %dma_wait3A_134] : memref<128x200xi32, #tpu.memory_space<vmem>> -> memref<1x200xi32, #tpu.memory_space<vmem>>
        %dma_wait3A_136 = tpu.memref_squeeze %dma_wait3A_135 : memref<1x200xi32, #tpu.memory_space<vmem>> -> memref<200xi32, #tpu.memory_space<vmem>>
        %dma_wait3A_137 = arith.constant 0 : i32
        %dma_wait3A_138 = arith.constant 0 : i32
        %dma_wait3A_139 = tpu.memref_slice %arg3[%dma_wait3A_137, %dma_wait3A_138] : memref<1000000x64xf32, #tpu.memory_space<hbm>> -> memref<1000000x64xf32, #tpu.memory_space<hbm>>
        tpu.wait_indirect_dma semaphore(%arg16 : memref<!tpu.dma_semaphore, #tpu.memory_space<semaphore_mem>>) src(%dma_wait3A_139 : memref<1000000x64xf32, #tpu.memory_space<hbm>>) dst(%arg10 : memref<200x64xf32, #tpu.memory_space<vmem>>)
        %scan3A_140 = arith.constant 0 : i32
        %scan3A_141 = arith.constant 0 : i32
        %scan3A_142 = arith.constant 200 : i32
        %scan3A_143 = arith.addi %scan3A_141, %scan3A_142 : i32
        %scan3A_144 = arith.constant 1 : i32
        scf.for %scan3A_163 = %scan3A_141 to %scan3A_143 step %scan3A_144  : i32 {
          %get3A = arith.index_cast %scan3A_163 : i32 to index
          %get3A_164 = arith.constant 0 : index
          %get3A_165 = tpu.vector_load %arg10[%get3A, %get3A_164] {strides = array<i32>} : memref<200x64xf32, #tpu.memory_space<vmem>>, vector<1x16xf32>,
          %get3A_166 = vector.shape_cast %get3A_165 : vector<1x16xf32> to vector<16xf32>
          %get3A_167 = arith.index_cast %scan3A_163 : i32 to index
          %get3A_168 = arith.constant 0 : index
          %get3A_169 = tpu.vector_load %arg6[%get3A_167, %get3A_168] {strides = array<i32>} : memref<200x64xf32, #tpu.memory_space<vmem>>, vector<1x16xf32>,
          %get3A_170 = vector.shape_cast %get3A_169 : vector<1x16xf32> to vector<16xf32>
          %add3A_171 = arith.addf %get3A_166, %get3A_170 : vector<16xf32>
          %swap3A = arith.index_cast %scan3A_163 : i32 to index
          %swap3A_172 = arith.constant 0 : index
          %swap3A_173 = tpu.vector_load %arg10[%swap3A, %swap3A_172] {strides = array<i32>} : memref<200x64xf32, #tpu.memory_space<vmem>>, vector<1x16xf32>,
          %swap3A_174 = vector.shape_cast %swap3A_173 : vector<1x16xf32> to vector<16xf32>
          %swap3A_175 = vector.shape_cast %add3A_171 : vector<16xf32> to vector<1x16xf32>
          tpu.vector_store %arg10[%swap3A, %swap3A_172], %swap3A_175 {strides = array<i32>} : memref<200x64xf32, #tpu.memory_space<vmem>>, vector<1x16xf32>,
          %get3A_176 = arith.index_cast %scan3A_163 : i32 to index
          %get3A_177 = arith.constant 16 : index
          %get3A_178 = tpu.vector_load %arg10[%get3A_176, %get3A_177] {strides = array<i32>} : memref<200x64xf32, #tpu.memory_space<vmem>>, vector<1x16xf32>,
          %get3A_179 = vector.shape_cast %get3A_178 : vector<1x16xf32> to vector<16xf32>
          %get3A_180 = arith.index_cast %scan3A_163 : i32 to index
          %get3A_181 = arith.constant 16 : index
          %get3A_182 = tpu.vector_load %arg6[%get3A_180, %get3A_181] {strides = array<i32>} : memref<200x64xf32, #tpu.memory_space<vmem>>, vector<1x16xf32>,
          %get3A_183 = vector.shape_cast %get3A_182 : vector<1x16xf32> to vector<16xf32>
          %add3A_184 = arith.addf %get3A_179, %get3A_183 : vector<16xf32>
          %swap3A_185 = arith.index_cast %scan3A_163 : i32 to index
          %swap3A_186 = arith.constant 16 : index
          %swap3A_187 = tpu.vector_load %arg10[%swap3A_185, %swap3A_186] {strides = array<i32>} : memref<200x64xf32, #tpu.memory_space<vmem>>, vector<1x16xf32>,
          %swap3A_188 = vector.shape_cast %swap3A_187 : vector<1x16xf32> to vector<16xf32>
          %swap3A_189 = vector.shape_cast %add3A_184 : vector<16xf32> to vector<1x16xf32>
          tpu.vector_store %arg10[%swap3A_185, %swap3A_186], %swap3A_189 {strides = array<i32>} : memref<200x64xf32, #tpu.memory_space<vmem>>, vector<1x16xf32>,
          %get3A_190 = arith.index_cast %scan3A_163 : i32 to index
          %get3A_191 = arith.constant 32 : index
          %get3A_192 = tpu.vector_load %arg10[%get3A_190, %get3A_191] {strides = array<i32>} : memref<200x64xf32, #tpu.memory_space<vmem>>, vector<1x16xf32>,
          %get3A_193 = vector.shape_cast %get3A_192 : vector<1x16xf32> to vector<16xf32>
          %get3A_194 = arith.index_cast %scan3A_163 : i32 to index
          %get3A_195 = arith.constant 32 : index
          %get3A_196 = tpu.vector_load %arg6[%get3A_194, %get3A_195] {strides = array<i32>} : memref<200x64xf32, #tpu.memory_space<vmem>>, vector<1x16xf32>,
          %get3A_197 = vector.shape_cast %get3A_196 : vector<1x16xf32> to vector<16xf32>
          %add3A_198 = arith.addf %get3A_193, %get3A_197 : vector<16xf32>
          %swap3A_199 = arith.index_cast %scan3A_163 : i32 to index
          %swap3A_200 = arith.constant 32 : index
          %swap3A_201 = tpu.vector_load %arg10[%swap3A_199, %swap3A_200] {strides = array<i32>} : memref<200x64xf32, #tpu.memory_space<vmem>>, vector<1x16xf32>,
          %swap3A_202 = vector.shape_cast %swap3A_201 : vector<1x16xf32> to vector<16xf32>
          %swap3A_203 = vector.shape_cast %add3A_198 : vector<16xf32> to vector<1x16xf32>
          tpu.vector_store %arg10[%swap3A_199, %swap3A_200], %swap3A_203 {strides = array<i32>} : memref<200x64xf32, #tpu.memory_space<vmem>>, vector<1x16xf32>,
          %get3A_204 = arith.index_cast %scan3A_163 : i32 to index
          %get3A_205 = arith.constant 48 : index
          %get3A_206 = tpu.vector_load %arg10[%get3A_204, %get3A_205] {strides = array<i32>} : memref<200x64xf32, #tpu.memory_space<vmem>>, vector<1x16xf32>,
          %get3A_207 = vector.shape_cast %get3A_206 : vector<1x16xf32> to vector<16xf32>
          %get3A_208 = arith.index_cast %scan3A_163 : i32 to index
          %get3A_209 = arith.constant 48 : index
          %get3A_210 = tpu.vector_load %arg6[%get3A_208, %get3A_209] {strides = array<i32>} : memref<200x64xf32, #tpu.memory_space<vmem>>, vector<1x16xf32>,
          %get3A_211 = vector.shape_cast %get3A_210 : vector<1x16xf32> to vector<16xf32>
          %add3A_212 = arith.addf %get3A_207, %get3A_211 : vector<16xf32>
          %swap3A_213 = arith.index_cast %scan3A_163 : i32 to index
          %swap3A_214 = arith.constant 48 : index
          %swap3A_215 = tpu.vector_load %arg10[%swap3A_213, %swap3A_214] {strides = array<i32>} : memref<200x64xf32, #tpu.memory_space<vmem>>, vector<1x16xf32>,
          %swap3A_216 = vector.shape_cast %swap3A_215 : vector<1x16xf32> to vector<16xf32>
          %swap3A_217 = vector.shape_cast %add3A_212 : vector<16xf32> to vector<1x16xf32>
          tpu.vector_store %arg10[%swap3A_213, %swap3A_214], %swap3A_217 {strides = array<i32>} : memref<200x64xf32, #tpu.memory_space<vmem>>, vector<1x16xf32>,
        }
        %scan3A_145 = arith.constant 200 : i32
        %add3A_146 = arith.addi %mul3A_2, %add3A_101 : i32
        %dma_start3A_147 = arith.constant 0 : i32
        %dma_start3A_148 = arith.constant 0 : i32
        %dma_start3A_149 = tpu.memref_slice %arg5[%add3A_146, %dma_start3A_147, %dma_start3A_148] : memref<4096x200x64xf32, #tpu.memory_space<hbm>> -> memref<1x200x64xf32, #tpu.memory_space<hbm>>
        %dma_start3A_150 = tpu.memref_squeeze %dma_start3A_149 : memref<1x200x64xf32, #tpu.memory_space<hbm>> -> memref<200x64xf32, #tpu.memory_space<hbm>>
        %dma_start3A_151 = arith.constant 0 : i32
        %dma_start3A_152 = arith.constant 0 : i32
        %dma_start3A_153 = tpu.memref_slice %arg5[%add3A_146, %dma_start3A_151, %dma_start3A_152] : memref<4096x200x64xf32, #tpu.memory_space<hbm>> -> memref<1x200x64xf32, #tpu.memory_space<hbm>>
        %dma_start3A_154 = tpu.memref_squeeze %dma_start3A_153 : memref<1x200x64xf32, #tpu.memory_space<hbm>> -> memref<200x64xf32, #tpu.memory_space<hbm>>
        tpu.enqueue_dma source(%arg10 : memref<200x64xf32, #tpu.memory_space<vmem>>) target(%dma_start3A_154 : memref<200x64xf32, #tpu.memory_space<hbm>>) target_semaphore(%arg22 : memref<!tpu.dma_semaphore, #tpu.memory_space<semaphore_mem>>)
        %add3A_155 = arith.constant 6 : i32
        %add3A_156 = arith.addi %add3A_101, %add3A_155 : i32
        %sub3A = arith.constant 2 : i32
        %sub3A_157 = arith.subi %add3A_156, %sub3A : i32
        %lt3A_158 = arith.constant 128 : i32
        %lt3A_159 = arith.cmpi slt, %sub3A_157, %lt3A_158 : i32
        %convert_element_type3A_160 = arith.extui %lt3A_159 : i1 to i32
        %cond3A_161 = arith.constant 0 : i32
        %cond3A_162 = arith.cmpi ne, %convert_element_type3A_160, %cond3A_161 : i32
        scf.if %cond3A_162 {
          %ge3A = arith.constant 2 : i32
          %ge3A_163 = arith.cmpi sge, %add3A_101, %ge3A : i32
          %convert_element_type3A_164 = arith.extui %ge3A_163 : i1 to i32
          %cond3A_165 = arith.constant 0 : i32
          %cond3A_166 = arith.cmpi ne, %convert_element_type3A_164, %cond3A_165 : i32
          scf.if %cond3A_166 {
            %dma_wait3A_173 = arith.constant 0 : i32
            %dma_wait3A_174 = arith.constant 0 : i32
            %dma_wait3A_175 = tpu.memref_slice %arg5[%mul3A_2, %dma_wait3A_173, %dma_wait3A_174] : memref<4096x200x64xf32, #tpu.memory_space<hbm>> -> memref<1x200x64xf32, #tpu.memory_space<hbm>>
            %dma_wait3A_176 = tpu.memref_squeeze %dma_wait3A_175 : memref<1x200x64xf32, #tpu.memory_space<hbm>> -> memref<200x64xf32, #tpu.memory_space<hbm>>
            %dma_wait3A_177 = arith.constant 0 : i32
            %dma_wait3A_178 = arith.constant 0 : i32
            %dma_wait3A_179 = tpu.memref_slice %arg5[%mul3A_2, %dma_wait3A_177, %dma_wait3A_178] : memref<4096x200x64xf32, #tpu.memory_space<hbm>> -> memref<1x200x64xf32, #tpu.memory_space<hbm>>
            %dma_wait3A_180 = tpu.memref_squeeze %dma_wait3A_179 : memref<1x200x64xf32, #tpu.memory_space<hbm>> -> memref<200x64xf32, #tpu.memory_space<hbm>>
            tpu.wait_dma2 semaphore(%arg20 : memref<!tpu.dma_semaphore, #tpu.memory_space<semaphore_mem>>) src(%arg8 : memref<200x64xf32, #tpu.memory_space<vmem>>) dst(%dma_wait3A_180 : memref<200x64xf32, #tpu.memory_space<hbm>>)
          } else {
          }
          %dma_start3A_167 = arith.constant 0 : i32
          %dma_start3A_168 = tpu.memref_slice %arg7[%sub3A_157, %dma_start3A_167] : memref<128x200xi32, #tpu.memory_space<vmem>> -> memref<1x200xi32, #tpu.memory_space<vmem>>
          %dma_start3A_169 = tpu.memref_squeeze %dma_start3A_168 : memref<1x200xi32, #tpu.memory_space<vmem>> -> memref<200xi32, #tpu.memory_space<vmem>>
          %dma_start3A_170 = arith.constant 0 : i32
          %dma_start3A_171 = arith.constant 0 : i32
          %dma_start3A_172 = tpu.memref_slice %arg3[%dma_start3A_170, %dma_start3A_171] : memref<1000000x64xf32, #tpu.memory_space<hbm>> -> memref<1000000x64xf32, #tpu.memory_space<hbm>>
          tpu.enqueue_indirect_dma source(%dma_start3A_172 : memref<1000000x64xf32, #tpu.memory_space<hbm>>) target(%arg8 : memref<200x64xf32, #tpu.memory_space<vmem>>) offsets(%dma_start3A_169 : memref<200xi32, #tpu.memory_space<vmem>>) semaphore(%arg14 : memref<!tpu.dma_semaphore, #tpu.memory_space<semaphore_mem>>)
        } else {
        }
      } else {
      }
      %mul3A_107 = arith.constant 6 : i32
      %mul3A_108 = arith.muli %scan3A_82, %mul3A_107 : i32
      %add3A_109 = arith.constant 3 : i32
      %add3A_110 = arith.addi %mul3A_108, %add3A_109 : i32
      %lt3A_111 = arith.constant 128 : i32
      %lt3A_112 = arith.cmpi slt, %add3A_110, %lt3A_111 : i32
      %convert_element_type3A_113 = arith.extui %lt3A_112 : i1 to i32
      %cond3A_114 = arith.constant 0 : i32
      %cond3A_115 = arith.cmpi ne, %convert_element_type3A_113, %cond3A_114 : i32
      scf.if %cond3A_115 {
        %dma_wait3A_134 = arith.constant 0 : i32
        %dma_wait3A_135 = tpu.memref_slice %arg7[%add3A_110, %dma_wait3A_134] : memref<128x200xi32, #tpu.memory_space<vmem>> -> memref<1x200xi32, #tpu.memory_space<vmem>>
        %dma_wait3A_136 = tpu.memref_squeeze %dma_wait3A_135 : memref<1x200xi32, #tpu.memory_space<vmem>> -> memref<200xi32, #tpu.memory_space<vmem>>
        %dma_wait3A_137 = arith.constant 0 : i32
        %dma_wait3A_138 = arith.constant 0 : i32
        %dma_wait3A_139 = tpu.memref_slice %arg3[%dma_wait3A_137, %dma_wait3A_138] : memref<1000000x64xf32, #tpu.memory_space<hbm>> -> memref<1000000x64xf32, #tpu.memory_space<hbm>>
        tpu.wait_indirect_dma semaphore(%arg17 : memref<!tpu.dma_semaphore, #tpu.memory_space<semaphore_mem>>) src(%dma_wait3A_139 : memref<1000000x64xf32, #tpu.memory_space<hbm>>) dst(%arg11 : memref<200x64xf32, #tpu.memory_space<vmem>>)
        %scan3A_140 = arith.constant 0 : i32
        %scan3A_141 = arith.constant 0 : i32
        %scan3A_142 = arith.constant 200 : i32
        %scan3A_143 = arith.addi %scan3A_141, %scan3A_142 : i32
        %scan3A_144 = arith.constant 1 : i32
        scf.for %scan3A_163 = %scan3A_141 to %scan3A_143 step %scan3A_144  : i32 {
          %get3A = arith.index_cast %scan3A_163 : i32 to index
          %get3A_164 = arith.constant 0 : index
          %get3A_165 = tpu.vector_load %arg11[%get3A, %get3A_164] {strides = array<i32>} : memref<200x64xf32, #tpu.memory_space<vmem>>, vector<1x16xf32>,
          %get3A_166 = vector.shape_cast %get3A_165 : vector<1x16xf32> to vector<16xf32>
          %get3A_167 = arith.index_cast %scan3A_163 : i32 to index
          %get3A_168 = arith.constant 0 : index
          %get3A_169 = tpu.vector_load %arg6[%get3A_167, %get3A_168] {strides = array<i32>} : memref<200x64xf32, #tpu.memory_space<vmem>>, vector<1x16xf32>,
          %get3A_170 = vector.shape_cast %get3A_169 : vector<1x16xf32> to vector<16xf32>
          %add3A_171 = arith.addf %get3A_166, %get3A_170 : vector<16xf32>
          %swap3A = arith.index_cast %scan3A_163 : i32 to index
          %swap3A_172 = arith.constant 0 : index
          %swap3A_173 = tpu.vector_load %arg11[%swap3A, %swap3A_172] {strides = array<i32>} : memref<200x64xf32, #tpu.memory_space<vmem>>, vector<1x16xf32>,
          %swap3A_174 = vector.shape_cast %swap3A_173 : vector<1x16xf32> to vector<16xf32>
          %swap3A_175 = vector.shape_cast %add3A_171 : vector<16xf32> to vector<1x16xf32>
          tpu.vector_store %arg11[%swap3A, %swap3A_172], %swap3A_175 {strides = array<i32>} : memref<200x64xf32, #tpu.memory_space<vmem>>, vector<1x16xf32>,
          %get3A_176 = arith.index_cast %scan3A_163 : i32 to index
          %get3A_177 = arith.constant 16 : index
          %get3A_178 = tpu.vector_load %arg11[%get3A_176, %get3A_177] {strides = array<i32>} : memref<200x64xf32, #tpu.memory_space<vmem>>, vector<1x16xf32>,
          %get3A_179 = vector.shape_cast %get3A_178 : vector<1x16xf32> to vector<16xf32>
          %get3A_180 = arith.index_cast %scan3A_163 : i32 to index
          %get3A_181 = arith.constant 16 : index
          %get3A_182 = tpu.vector_load %arg6[%get3A_180, %get3A_181] {strides = array<i32>} : memref<200x64xf32, #tpu.memory_space<vmem>>, vector<1x16xf32>,
          %get3A_183 = vector.shape_cast %get3A_182 : vector<1x16xf32> to vector<16xf32>
          %add3A_184 = arith.addf %get3A_179, %get3A_183 : vector<16xf32>
          %swap3A_185 = arith.index_cast %scan3A_163 : i32 to index
          %swap3A_186 = arith.constant 16 : index
          %swap3A_187 = tpu.vector_load %arg11[%swap3A_185, %swap3A_186] {strides = array<i32>} : memref<200x64xf32, #tpu.memory_space<vmem>>, vector<1x16xf32>,
          %swap3A_188 = vector.shape_cast %swap3A_187 : vector<1x16xf32> to vector<16xf32>
          %swap3A_189 = vector.shape_cast %add3A_184 : vector<16xf32> to vector<1x16xf32>
          tpu.vector_store %arg11[%swap3A_185, %swap3A_186], %swap3A_189 {strides = array<i32>} : memref<200x64xf32, #tpu.memory_space<vmem>>, vector<1x16xf32>,
          %get3A_190 = arith.index_cast %scan3A_163 : i32 to index
          %get3A_191 = arith.constant 32 : index
          %get3A_192 = tpu.vector_load %arg11[%get3A_190, %get3A_191] {strides = array<i32>} : memref<200x64xf32, #tpu.memory_space<vmem>>, vector<1x16xf32>,
          %get3A_193 = vector.shape_cast %get3A_192 : vector<1x16xf32> to vector<16xf32>
          %get3A_194 = arith.index_cast %scan3A_163 : i32 to index
          %get3A_195 = arith.constant 32 : index
          %get3A_196 = tpu.vector_load %arg6[%get3A_194, %get3A_195] {strides = array<i32>} : memref<200x64xf32, #tpu.memory_space<vmem>>, vector<1x16xf32>,
          %get3A_197 = vector.shape_cast %get3A_196 : vector<1x16xf32> to vector<16xf32>
          %add3A_198 = arith.addf %get3A_193, %get3A_197 : vector<16xf32>
          %swap3A_199 = arith.index_cast %scan3A_163 : i32 to index
          %swap3A_200 = arith.constant 32 : index
          %swap3A_201 = tpu.vector_load %arg11[%swap3A_199, %swap3A_200] {strides = array<i32>} : memref<200x64xf32, #tpu.memory_space<vmem>>, vector<1x16xf32>,
          %swap3A_202 = vector.shape_cast %swap3A_201 : vector<1x16xf32> to vector<16xf32>
          %swap3A_203 = vector.shape_cast %add3A_198 : vector<16xf32> to vector<1x16xf32>
          tpu.vector_store %arg11[%swap3A_199, %swap3A_200], %swap3A_203 {strides = array<i32>} : memref<200x64xf32, #tpu.memory_space<vmem>>, vector<1x16xf32>,
          %get3A_204 = arith.index_cast %scan3A_163 : i32 to index
          %get3A_205 = arith.constant 48 : index
          %get3A_206 = tpu.vector_load %arg11[%get3A_204, %get3A_205] {strides = array<i32>} : memref<200x64xf32, #tpu.memory_space<vmem>>, vector<1x16xf32>,
          %get3A_207 = vector.shape_cast %get3A_206 : vector<1x16xf32> to vector<16xf32>
          %get3A_208 = arith.index_cast %scan3A_163 : i32 to index
          %get3A_209 = arith.constant 48 : index
          %get3A_210 = tpu.vector_load %arg6[%get3A_208, %get3A_209] {strides = array<i32>} : memref<200x64xf32, #tpu.memory_space<vmem>>, vector<1x16xf32>,
          %get3A_211 = vector.shape_cast %get3A_210 : vector<1x16xf32> to vector<16xf32>
          %add3A_212 = arith.addf %get3A_207, %get3A_211 : vector<16xf32>
          %swap3A_213 = arith.index_cast %scan3A_163 : i32 to index
          %swap3A_214 = arith.constant 48 : index
          %swap3A_215 = tpu.vector_load %arg11[%swap3A_213, %swap3A_214] {strides = array<i32>} : memref<200x64xf32, #tpu.memory_space<vmem>>, vector<1x16xf32>,
          %swap3A_216 = vector.shape_cast %swap3A_215 : vector<1x16xf32> to vector<16xf32>
          %swap3A_217 = vector.shape_cast %add3A_212 : vector<16xf32> to vector<1x16xf32>
          tpu.vector_store %arg11[%swap3A_213, %swap3A_214], %swap3A_217 {strides = array<i32>} : memref<200x64xf32, #tpu.memory_space<vmem>>, vector<1x16xf32>,
        }
        %scan3A_145 = arith.constant 200 : i32
        %add3A_146 = arith.addi %mul3A_2, %add3A_110 : i32
        %dma_start3A_147 = arith.constant 0 : i32
        %dma_start3A_148 = arith.constant 0 : i32
        %dma_start3A_149 = tpu.memref_slice %arg5[%add3A_146, %dma_start3A_147, %dma_start3A_148] : memref<4096x200x64xf32, #tpu.memory_space<hbm>> -> memref<1x200x64xf32, #tpu.memory_space<hbm>>
        %dma_start3A_150 = tpu.memref_squeeze %dma_start3A_149 : memref<1x200x64xf32, #tpu.memory_space<hbm>> -> memref<200x64xf32, #tpu.memory_space<hbm>>
        %dma_start3A_151 = arith.constant 0 : i32
        %dma_start3A_152 = arith.constant 0 : i32
        %dma_start3A_153 = tpu.memref_slice %arg5[%add3A_146, %dma_start3A_151, %dma_start3A_152] : memref<4096x200x64xf32, #tpu.memory_space<hbm>> -> memref<1x200x64xf32, #tpu.memory_space<hbm>>
        %dma_start3A_154 = tpu.memref_squeeze %dma_start3A_153 : memref<1x200x64xf32, #tpu.memory_space<hbm>> -> memref<200x64xf32, #tpu.memory_space<hbm>>
        tpu.enqueue_dma source(%arg11 : memref<200x64xf32, #tpu.memory_space<vmem>>) target(%dma_start3A_154 : memref<200x64xf32, #tpu.memory_space<hbm>>) target_semaphore(%arg23 : memref<!tpu.dma_semaphore, #tpu.memory_space<semaphore_mem>>)
        %add3A_155 = arith.constant 6 : i32
        %add3A_156 = arith.addi %add3A_110, %add3A_155 : i32
        %sub3A = arith.constant 2 : i32
        %sub3A_157 = arith.subi %add3A_156, %sub3A : i32
        %lt3A_158 = arith.constant 128 : i32
        %lt3A_159 = arith.cmpi slt, %sub3A_157, %lt3A_158 : i32
        %convert_element_type3A_160 = arith.extui %lt3A_159 : i1 to i32
        %cond3A_161 = arith.constant 0 : i32
        %cond3A_162 = arith.cmpi ne, %convert_element_type3A_160, %cond3A_161 : i32
        scf.if %cond3A_162 {
          %ge3A = arith.constant 2 : i32
          %ge3A_163 = arith.cmpi sge, %add3A_110, %ge3A : i32
          %convert_element_type3A_164 = arith.extui %ge3A_163 : i1 to i32
          %cond3A_165 = arith.constant 0 : i32
          %cond3A_166 = arith.cmpi ne, %convert_element_type3A_164, %cond3A_165 : i32
          scf.if %cond3A_166 {
            %dma_wait3A_173 = arith.constant 0 : i32
            %dma_wait3A_174 = arith.constant 0 : i32
            %dma_wait3A_175 = tpu.memref_slice %arg5[%mul3A_2, %dma_wait3A_173, %dma_wait3A_174] : memref<4096x200x64xf32, #tpu.memory_space<hbm>> -> memref<1x200x64xf32, #tpu.memory_space<hbm>>
            %dma_wait3A_176 = tpu.memref_squeeze %dma_wait3A_175 : memref<1x200x64xf32, #tpu.memory_space<hbm>> -> memref<200x64xf32, #tpu.memory_space<hbm>>
            %dma_wait3A_177 = arith.constant 0 : i32
            %dma_wait3A_178 = arith.constant 0 : i32
            %dma_wait3A_179 = tpu.memref_slice %arg5[%mul3A_2, %dma_wait3A_177, %dma_wait3A_178] : memref<4096x200x64xf32, #tpu.memory_space<hbm>> -> memref<1x200x64xf32, #tpu.memory_space<hbm>>
            %dma_wait3A_180 = tpu.memref_squeeze %dma_wait3A_179 : memref<1x200x64xf32, #tpu.memory_space<hbm>> -> memref<200x64xf32, #tpu.memory_space<hbm>>
            tpu.wait_dma2 semaphore(%arg21 : memref<!tpu.dma_semaphore, #tpu.memory_space<semaphore_mem>>) src(%arg9 : memref<200x64xf32, #tpu.memory_space<vmem>>) dst(%dma_wait3A_180 : memref<200x64xf32, #tpu.memory_space<hbm>>)
          } else {
          }
          %dma_start3A_167 = arith.constant 0 : i32
          %dma_start3A_168 = tpu.memref_slice %arg7[%sub3A_157, %dma_start3A_167] : memref<128x200xi32, #tpu.memory_space<vmem>> -> memref<1x200xi32, #tpu.memory_space<vmem>>
          %dma_start3A_169 = tpu.memref_squeeze %dma_start3A_168 : memref<1x200xi32, #tpu.memory_space<vmem>> -> memref<200xi32, #tpu.memory_space<vmem>>
          %dma_start3A_170 = arith.constant 0 : i32
          %dma_start3A_171 = arith.constant 0 : i32
          %dma_start3A_172 = tpu.memref_slice %arg3[%dma_start3A_170, %dma_start3A_171] : memref<1000000x64xf32, #tpu.memory_space<hbm>> -> memref<1000000x64xf32, #tpu.memory_space<hbm>>
          tpu.enqueue_indirect_dma source(%dma_start3A_172 : memref<1000000x64xf32, #tpu.memory_space<hbm>>) target(%arg9 : memref<200x64xf32, #tpu.memory_space<vmem>>) offsets(%dma_start3A_169 : memref<200xi32, #tpu.memory_space<vmem>>) semaphore(%arg15 : memref<!tpu.dma_semaphore, #tpu.memory_space<semaphore_mem>>)
        } else {
        }
      } else {
      }
      %mul3A_116 = arith.constant 6 : i32
      %mul3A_117 = arith.muli %scan3A_82, %mul3A_116 : i32
      %add3A_118 = arith.constant 4 : i32
      %add3A_119 = arith.addi %mul3A_117, %add3A_118 : i32
      %lt3A_120 = arith.constant 128 : i32
      %lt3A_121 = arith.cmpi slt, %add3A_119, %lt3A_120 : i32
      %convert_element_type3A_122 = arith.extui %lt3A_121 : i1 to i32
      %cond3A_123 = arith.constant 0 : i32
      %cond3A_124 = arith.cmpi ne, %convert_element_type3A_122, %cond3A_123 : i32
      scf.if %cond3A_124 {
        %dma_wait3A_134 = arith.constant 0 : i32
        %dma_wait3A_135 = tpu.memref_slice %arg7[%add3A_119, %dma_wait3A_134] : memref<128x200xi32, #tpu.memory_space<vmem>> -> memref<1x200xi32, #tpu.memory_space<vmem>>
        %dma_wait3A_136 = tpu.memref_squeeze %dma_wait3A_135 : memref<1x200xi32, #tpu.memory_space<vmem>> -> memref<200xi32, #tpu.memory_space<vmem>>
        %dma_wait3A_137 = arith.constant 0 : i32
        %dma_wait3A_138 = arith.constant 0 : i32
        %dma_wait3A_139 = tpu.memref_slice %arg3[%dma_wait3A_137, %dma_wait3A_138] : memref<1000000x64xf32, #tpu.memory_space<hbm>> -> memref<1000000x64xf32, #tpu.memory_space<hbm>>
        tpu.wait_indirect_dma semaphore(%arg18 : memref<!tpu.dma_semaphore, #tpu.memory_space<semaphore_mem>>) src(%dma_wait3A_139 : memref<1000000x64xf32, #tpu.memory_space<hbm>>) dst(%arg12 : memref<200x64xf32, #tpu.memory_space<vmem>>)
        %scan3A_140 = arith.constant 0 : i32
        %scan3A_141 = arith.constant 0 : i32
        %scan3A_142 = arith.constant 200 : i32
        %scan3A_143 = arith.addi %scan3A_141, %scan3A_142 : i32
        %scan3A_144 = arith.constant 1 : i32
        scf.for %scan3A_163 = %scan3A_141 to %scan3A_143 step %scan3A_144  : i32 {
          %get3A = arith.index_cast %scan3A_163 : i32 to index
          %get3A_164 = arith.constant 0 : index
          %get3A_165 = tpu.vector_load %arg12[%get3A, %get3A_164] {strides = array<i32>} : memref<200x64xf32, #tpu.memory_space<vmem>>, vector<1x16xf32>,
          %get3A_166 = vector.shape_cast %get3A_165 : vector<1x16xf32> to vector<16xf32>
          %get3A_167 = arith.index_cast %scan3A_163 : i32 to index
          %get3A_168 = arith.constant 0 : index
          %get3A_169 = tpu.vector_load %arg6[%get3A_167, %get3A_168] {strides = array<i32>} : memref<200x64xf32, #tpu.memory_space<vmem>>, vector<1x16xf32>,
          %get3A_170 = vector.shape_cast %get3A_169 : vector<1x16xf32> to vector<16xf32>
          %add3A_171 = arith.addf %get3A_166, %get3A_170 : vector<16xf32>
          %swap3A = arith.index_cast %scan3A_163 : i32 to index
          %swap3A_172 = arith.constant 0 : index
          %swap3A_173 = tpu.vector_load %arg12[%swap3A, %swap3A_172] {strides = array<i32>} : memref<200x64xf32, #tpu.memory_space<vmem>>, vector<1x16xf32>,
          %swap3A_174 = vector.shape_cast %swap3A_173 : vector<1x16xf32> to vector<16xf32>
          %swap3A_175 = vector.shape_cast %add3A_171 : vector<16xf32> to vector<1x16xf32>
          tpu.vector_store %arg12[%swap3A, %swap3A_172], %swap3A_175 {strides = array<i32>} : memref<200x64xf32, #tpu.memory_space<vmem>>, vector<1x16xf32>,
          %get3A_176 = arith.index_cast %scan3A_163 : i32 to index
          %get3A_177 = arith.constant 16 : index
          %get3A_178 = tpu.vector_load %arg12[%get3A_176, %get3A_177] {strides = array<i32>} : memref<200x64xf32, #tpu.memory_space<vmem>>, vector<1x16xf32>,
          %get3A_179 = vector.shape_cast %get3A_178 : vector<1x16xf32> to vector<16xf32>
          %get3A_180 = arith.index_cast %scan3A_163 : i32 to index
          %get3A_181 = arith.constant 16 : index
          %get3A_182 = tpu.vector_load %arg6[%get3A_180, %get3A_181] {strides = array<i32>} : memref<200x64xf32, #tpu.memory_space<vmem>>, vector<1x16xf32>,
          %get3A_183 = vector.shape_cast %get3A_182 : vector<1x16xf32> to vector<16xf32>
          %add3A_184 = arith.addf %get3A_179, %get3A_183 : vector<16xf32>
          %swap3A_185 = arith.index_cast %scan3A_163 : i32 to index
          %swap3A_186 = arith.constant 16 : index
          %swap3A_187 = tpu.vector_load %arg12[%swap3A_185, %swap3A_186] {strides = array<i32>} : memref<200x64xf32, #tpu.memory_space<vmem>>, vector<1x16xf32>,
          %swap3A_188 = vector.shape_cast %swap3A_187 : vector<1x16xf32> to vector<16xf32>
          %swap3A_189 = vector.shape_cast %add3A_184 : vector<16xf32> to vector<1x16xf32>
          tpu.vector_store %arg12[%swap3A_185, %swap3A_186], %swap3A_189 {strides = array<i32>} : memref<200x64xf32, #tpu.memory_space<vmem>>, vector<1x16xf32>,
          %get3A_190 = arith.index_cast %scan3A_163 : i32 to index
          %get3A_191 = arith.constant 32 : index
          %get3A_192 = tpu.vector_load %arg12[%get3A_190, %get3A_191] {strides = array<i32>} : memref<200x64xf32, #tpu.memory_space<vmem>>, vector<1x16xf32>,
          %get3A_193 = vector.shape_cast %get3A_192 : vector<1x16xf32> to vector<16xf32>
          %get3A_194 = arith.index_cast %scan3A_163 : i32 to index
          %get3A_195 = arith.constant 32 : index
          %get3A_196 = tpu.vector_load %arg6[%get3A_194, %get3A_195] {strides = array<i32>} : memref<200x64xf32, #tpu.memory_space<vmem>>, vector<1x16xf32>,
          %get3A_197 = vector.shape_cast %get3A_196 : vector<1x16xf32> to vector<16xf32>
          %add3A_198 = arith.addf %get3A_193, %get3A_197 : vector<16xf32>
          %swap3A_199 = arith.index_cast %scan3A_163 : i32 to index
          %swap3A_200 = arith.constant 32 : index
          %swap3A_201 = tpu.vector_load %arg12[%swap3A_199, %swap3A_200] {strides = array<i32>} : memref<200x64xf32, #tpu.memory_space<vmem>>, vector<1x16xf32>,
          %swap3A_202 = vector.shape_cast %swap3A_201 : vector<1x16xf32> to vector<16xf32>
          %swap3A_203 = vector.shape_cast %add3A_198 : vector<16xf32> to vector<1x16xf32>
          tpu.vector_store %arg12[%swap3A_199, %swap3A_200], %swap3A_203 {strides = array<i32>} : memref<200x64xf32, #tpu.memory_space<vmem>>, vector<1x16xf32>,
          %get3A_204 = arith.index_cast %scan3A_163 : i32 to index
          %get3A_205 = arith.constant 48 : index
          %get3A_206 = tpu.vector_load %arg12[%get3A_204, %get3A_205] {strides = array<i32>} : memref<200x64xf32, #tpu.memory_space<vmem>>, vector<1x16xf32>,
          %get3A_207 = vector.shape_cast %get3A_206 : vector<1x16xf32> to vector<16xf32>
          %get3A_208 = arith.index_cast %scan3A_163 : i32 to index
          %get3A_209 = arith.constant 48 : index
          %get3A_210 = tpu.vector_load %arg6[%get3A_208, %get3A_209] {strides = array<i32>} : memref<200x64xf32, #tpu.memory_space<vmem>>, vector<1x16xf32>,
          %get3A_211 = vector.shape_cast %get3A_210 : vector<1x16xf32> to vector<16xf32>
          %add3A_212 = arith.addf %get3A_207, %get3A_211 : vector<16xf32>
          %swap3A_213 = arith.index_cast %scan3A_163 : i32 to index
          %swap3A_214 = arith.constant 48 : index
          %swap3A_215 = tpu.vector_load %arg12[%swap3A_213, %swap3A_214] {strides = array<i32>} : memref<200x64xf32, #tpu.memory_space<vmem>>, vector<1x16xf32>,
          %swap3A_216 = vector.shape_cast %swap3A_215 : vector<1x16xf32> to vector<16xf32>
          %swap3A_217 = vector.shape_cast %add3A_212 : vector<16xf32> to vector<1x16xf32>
          tpu.vector_store %arg12[%swap3A_213, %swap3A_214], %swap3A_217 {strides = array<i32>} : memref<200x64xf32, #tpu.memory_space<vmem>>, vector<1x16xf32>,
        }
        %scan3A_145 = arith.constant 200 : i32
        %add3A_146 = arith.addi %mul3A_2, %add3A_119 : i32
        %dma_start3A_147 = arith.constant 0 : i32
        %dma_start3A_148 = arith.constant 0 : i32
        %dma_start3A_149 = tpu.memref_slice %arg5[%add3A_146, %dma_start3A_147, %dma_start3A_148] : memref<4096x200x64xf32, #tpu.memory_space<hbm>> -> memref<1x200x64xf32, #tpu.memory_space<hbm>>
        %dma_start3A_150 = tpu.memref_squeeze %dma_start3A_149 : memref<1x200x64xf32, #tpu.memory_space<hbm>> -> memref<200x64xf32, #tpu.memory_space<hbm>>
        %dma_start3A_151 = arith.constant 0 : i32
        %dma_start3A_152 = arith.constant 0 : i32
        %dma_start3A_153 = tpu.memref_slice %arg5[%add3A_146, %dma_start3A_151, %dma_start3A_152] : memref<4096x200x64xf32, #tpu.memory_space<hbm>> -> memref<1x200x64xf32, #tpu.memory_space<hbm>>
        %dma_start3A_154 = tpu.memref_squeeze %dma_start3A_153 : memref<1x200x64xf32, #tpu.memory_space<hbm>> -> memref<200x64xf32, #tpu.memory_space<hbm>>
        tpu.enqueue_dma source(%arg12 : memref<200x64xf32, #tpu.memory_space<vmem>>) target(%dma_start3A_154 : memref<200x64xf32, #tpu.memory_space<hbm>>) target_semaphore(%arg24 : memref<!tpu.dma_semaphore, #tpu.memory_space<semaphore_mem>>)
        %add3A_155 = arith.constant 6 : i32
        %add3A_156 = arith.addi %add3A_119, %add3A_155 : i32
        %sub3A = arith.constant 2 : i32
        %sub3A_157 = arith.subi %add3A_156, %sub3A : i32
        %lt3A_158 = arith.constant 128 : i32
        %lt3A_159 = arith.cmpi slt, %sub3A_157, %lt3A_158 : i32
        %convert_element_type3A_160 = arith.extui %lt3A_159 : i1 to i32
        %cond3A_161 = arith.constant 0 : i32
        %cond3A_162 = arith.cmpi ne, %convert_element_type3A_160, %cond3A_161 : i32
        scf.if %cond3A_162 {
          %ge3A = arith.constant 2 : i32
          %ge3A_163 = arith.cmpi sge, %add3A_119, %ge3A : i32
          %convert_element_type3A_164 = arith.extui %ge3A_163 : i1 to i32
          %cond3A_165 = arith.constant 0 : i32
          %cond3A_166 = arith.cmpi ne, %convert_element_type3A_164, %cond3A_165 : i32
          scf.if %cond3A_166 {
            %dma_wait3A_173 = arith.constant 0 : i32
            %dma_wait3A_174 = arith.constant 0 : i32
            %dma_wait3A_175 = tpu.memref_slice %arg5[%mul3A_2, %dma_wait3A_173, %dma_wait3A_174] : memref<4096x200x64xf32, #tpu.memory_space<hbm>> -> memref<1x200x64xf32, #tpu.memory_space<hbm>>
            %dma_wait3A_176 = tpu.memref_squeeze %dma_wait3A_175 : memref<1x200x64xf32, #tpu.memory_space<hbm>> -> memref<200x64xf32, #tpu.memory_space<hbm>>
            %dma_wait3A_177 = arith.constant 0 : i32
            %dma_wait3A_178 = arith.constant 0 : i32
            %dma_wait3A_179 = tpu.memref_slice %arg5[%mul3A_2, %dma_wait3A_177, %dma_wait3A_178] : memref<4096x200x64xf32, #tpu.memory_space<hbm>> -> memref<1x200x64xf32, #tpu.memory_space<hbm>>
            %dma_wait3A_180 = tpu.memref_squeeze %dma_wait3A_179 : memref<1x200x64xf32, #tpu.memory_space<hbm>> -> memref<200x64xf32, #tpu.memory_space<hbm>>
            tpu.wait_dma2 semaphore(%arg22 : memref<!tpu.dma_semaphore, #tpu.memory_space<semaphore_mem>>) src(%arg10 : memref<200x64xf32, #tpu.memory_space<vmem>>) dst(%dma_wait3A_180 : memref<200x64xf32, #tpu.memory_space<hbm>>)
          } else {
          }
          %dma_start3A_167 = arith.constant 0 : i32
          %dma_start3A_168 = tpu.memref_slice %arg7[%sub3A_157, %dma_start3A_167] : memref<128x200xi32, #tpu.memory_space<vmem>> -> memref<1x200xi32, #tpu.memory_space<vmem>>
          %dma_start3A_169 = tpu.memref_squeeze %dma_start3A_168 : memref<1x200xi32, #tpu.memory_space<vmem>> -> memref<200xi32, #tpu.memory_space<vmem>>
          %dma_start3A_170 = arith.constant 0 : i32
          %dma_start3A_171 = arith.constant 0 : i32
          %dma_start3A_172 = tpu.memref_slice %arg3[%dma_start3A_170, %dma_start3A_171] : memref<1000000x64xf32, #tpu.memory_space<hbm>> -> memref<1000000x64xf32, #tpu.memory_space<hbm>>
          tpu.enqueue_indirect_dma source(%dma_start3A_172 : memref<1000000x64xf32, #tpu.memory_space<hbm>>) target(%arg10 : memref<200x64xf32, #tpu.memory_space<vmem>>) offsets(%dma_start3A_169 : memref<200xi32, #tpu.memory_space<vmem>>) semaphore(%arg16 : memref<!tpu.dma_semaphore, #tpu.memory_space<semaphore_mem>>)
        } else {
        }
      } else {
      }
      %mul3A_125 = arith.constant 6 : i32
      %mul3A_126 = arith.muli %scan3A_82, %mul3A_125 : i32
      %add3A_127 = arith.constant 5 : i32
      %add3A_128 = arith.addi %mul3A_126, %add3A_127 : i32
      %lt3A_129 = arith.constant 128 : i32
      %lt3A_130 = arith.cmpi slt, %add3A_128, %lt3A_129 : i32
      %convert_element_type3A_131 = arith.extui %lt3A_130 : i1 to i32
      %cond3A_132 = arith.constant 0 : i32
      %cond3A_133 = arith.cmpi ne, %convert_element_type3A_131, %cond3A_132 : i32
      scf.if %cond3A_133 {
        %dma_wait3A_134 = arith.constant 0 : i32
        %dma_wait3A_135 = tpu.memref_slice %arg7[%add3A_128, %dma_wait3A_134] : memref<128x200xi32, #tpu.memory_space<vmem>> -> memref<1x200xi32, #tpu.memory_space<vmem>>
        %dma_wait3A_136 = tpu.memref_squeeze %dma_wait3A_135 : memref<1x200xi32, #tpu.memory_space<vmem>> -> memref<200xi32, #tpu.memory_space<vmem>>
        %dma_wait3A_137 = arith.constant 0 : i32
        %dma_wait3A_138 = arith.constant 0 : i32
        %dma_wait3A_139 = tpu.memref_slice %arg3[%dma_wait3A_137, %dma_wait3A_138] : memref<1000000x64xf32, #tpu.memory_space<hbm>> -> memref<1000000x64xf32, #tpu.memory_space<hbm>>
        tpu.wait_indirect_dma semaphore(%arg19 : memref<!tpu.dma_semaphore, #tpu.memory_space<semaphore_mem>>) src(%dma_wait3A_139 : memref<1000000x64xf32, #tpu.memory_space<hbm>>) dst(%arg13 : memref<200x64xf32, #tpu.memory_space<vmem>>)
        %scan3A_140 = arith.constant 0 : i32
        %scan3A_141 = arith.constant 0 : i32
        %scan3A_142 = arith.constant 200 : i32
        %scan3A_143 = arith.addi %scan3A_141, %scan3A_142 : i32
        %scan3A_144 = arith.constant 1 : i32
        scf.for %scan3A_163 = %scan3A_141 to %scan3A_143 step %scan3A_144  : i32 {
          %get3A = arith.index_cast %scan3A_163 : i32 to index
          %get3A_164 = arith.constant 0 : index
          %get3A_165 = tpu.vector_load %arg13[%get3A, %get3A_164] {strides = array<i32>} : memref<200x64xf32, #tpu.memory_space<vmem>>, vector<1x16xf32>,
          %get3A_166 = vector.shape_cast %get3A_165 : vector<1x16xf32> to vector<16xf32>
          %get3A_167 = arith.index_cast %scan3A_163 : i32 to index
          %get3A_168 = arith.constant 0 : index
          %get3A_169 = tpu.vector_load %arg6[%get3A_167, %get3A_168] {strides = array<i32>} : memref<200x64xf32, #tpu.memory_space<vmem>>, vector<1x16xf32>,
          %get3A_170 = vector.shape_cast %get3A_169 : vector<1x16xf32> to vector<16xf32>
          %add3A_171 = arith.addf %get3A_166, %get3A_170 : vector<16xf32>
          %swap3A = arith.index_cast %scan3A_163 : i32 to index
          %swap3A_172 = arith.constant 0 : index
          %swap3A_173 = tpu.vector_load %arg13[%swap3A, %swap3A_172] {strides = array<i32>} : memref<200x64xf32, #tpu.memory_space<vmem>>, vector<1x16xf32>,
          %swap3A_174 = vector.shape_cast %swap3A_173 : vector<1x16xf32> to vector<16xf32>
          %swap3A_175 = vector.shape_cast %add3A_171 : vector<16xf32> to vector<1x16xf32>
          tpu.vector_store %arg13[%swap3A, %swap3A_172], %swap3A_175 {strides = array<i32>} : memref<200x64xf32, #tpu.memory_space<vmem>>, vector<1x16xf32>,
          %get3A_176 = arith.index_cast %scan3A_163 : i32 to index
          %get3A_177 = arith.constant 16 : index
          %get3A_178 = tpu.vector_load %arg13[%get3A_176, %get3A_177] {strides = array<i32>} : memref<200x64xf32, #tpu.memory_space<vmem>>, vector<1x16xf32>,
          %get3A_179 = vector.shape_cast %get3A_178 : vector<1x16xf32> to vector<16xf32>
          %get3A_180 = arith.index_cast %scan3A_163 : i32 to index
          %get3A_181 = arith.constant 16 : index
          %get3A_182 = tpu.vector_load %arg6[%get3A_180, %get3A_181] {strides = array<i32>} : memref<200x64xf32, #tpu.memory_space<vmem>>, vector<1x16xf32>,
          %get3A_183 = vector.shape_cast %get3A_182 : vector<1x16xf32> to vector<16xf32>
          %add3A_184 = arith.addf %get3A_179, %get3A_183 : vector<16xf32>
          %swap3A_185 = arith.index_cast %scan3A_163 : i32 to index
          %swap3A_186 = arith.constant 16 : index
          %swap3A_187 = tpu.vector_load %arg13[%swap3A_185, %swap3A_186] {strides = array<i32>} : memref<200x64xf32, #tpu.memory_space<vmem>>, vector<1x16xf32>,
          %swap3A_188 = vector.shape_cast %swap3A_187 : vector<1x16xf32> to vector<16xf32>
          %swap3A_189 = vector.shape_cast %add3A_184 : vector<16xf32> to vector<1x16xf32>
          tpu.vector_store %arg13[%swap3A_185, %swap3A_186], %swap3A_189 {strides = array<i32>} : memref<200x64xf32, #tpu.memory_space<vmem>>, vector<1x16xf32>,
          %get3A_190 = arith.index_cast %scan3A_163 : i32 to index
          %get3A_191 = arith.constant 32 : index
          %get3A_192 = tpu.vector_load %arg13[%get3A_190, %get3A_191] {strides = array<i32>} : memref<200x64xf32, #tpu.memory_space<vmem>>, vector<1x16xf32>,
          %get3A_193 = vector.shape_cast %get3A_192 : vector<1x16xf32> to vector<16xf32>
          %get3A_194 = arith.index_cast %scan3A_163 : i32 to index
          %get3A_195 = arith.constant 32 : index
          %get3A_196 = tpu.vector_load %arg6[%get3A_194, %get3A_195] {strides = array<i32>} : memref<200x64xf32, #tpu.memory_space<vmem>>, vector<1x16xf32>,
          %get3A_197 = vector.shape_cast %get3A_196 : vector<1x16xf32> to vector<16xf32>
          %add3A_198 = arith.addf %get3A_193, %get3A_197 : vector<16xf32>
          %swap3A_199 = arith.index_cast %scan3A_163 : i32 to index
          %swap3A_200 = arith.constant 32 : index
          %swap3A_201 = tpu.vector_load %arg13[%swap3A_199, %swap3A_200] {strides = array<i32>} : memref<200x64xf32, #tpu.memory_space<vmem>>, vector<1x16xf32>,
          %swap3A_202 = vector.shape_cast %swap3A_201 : vector<1x16xf32> to vector<16xf32>
          %swap3A_203 = vector.shape_cast %add3A_198 : vector<16xf32> to vector<1x16xf32>
          tpu.vector_store %arg13[%swap3A_199, %swap3A_200], %swap3A_203 {strides = array<i32>} : memref<200x64xf32, #tpu.memory_space<vmem>>, vector<1x16xf32>,
          %get3A_204 = arith.index_cast %scan3A_163 : i32 to index
          %get3A_205 = arith.constant 48 : index
          %get3A_206 = tpu.vector_load %arg13[%get3A_204, %get3A_205] {strides = array<i32>} : memref<200x64xf32, #tpu.memory_space<vmem>>, vector<1x16xf32>,
          %get3A_207 = vector.shape_cast %get3A_206 : vector<1x16xf32> to vector<16xf32>
          %get3A_208 = arith.index_cast %scan3A_163 : i32 to index
          %get3A_209 = arith.constant 48 : index
          %get3A_210 = tpu.vector_load %arg6[%get3A_208, %get3A_209] {strides = array<i32>} : memref<200x64xf32, #tpu.memory_space<vmem>>, vector<1x16xf32>,
          %get3A_211 = vector.shape_cast %get3A_210 : vector<1x16xf32> to vector<16xf32>
          %add3A_212 = arith.addf %get3A_207, %get3A_211 : vector<16xf32>
          %swap3A_213 = arith.index_cast %scan3A_163 : i32 to index
          %swap3A_214 = arith.constant 48 : index
          %swap3A_215 = tpu.vector_load %arg13[%swap3A_213, %swap3A_214] {strides = array<i32>} : memref<200x64xf32, #tpu.memory_space<vmem>>, vector<1x16xf32>,
          %swap3A_216 = vector.shape_cast %swap3A_215 : vector<1x16xf32> to vector<16xf32>
          %swap3A_217 = vector.shape_cast %add3A_212 : vector<16xf32> to vector<1x16xf32>
          tpu.vector_store %arg13[%swap3A_213, %swap3A_214], %swap3A_217 {strides = array<i32>} : memref<200x64xf32, #tpu.memory_space<vmem>>, vector<1x16xf32>,
        }
        %scan3A_145 = arith.constant 200 : i32
        %add3A_146 = arith.addi %mul3A_2, %add3A_128 : i32
        %dma_start3A_147 = arith.constant 0 : i32
        %dma_start3A_148 = arith.constant 0 : i32
        %dma_start3A_149 = tpu.memref_slice %arg5[%add3A_146, %dma_start3A_147, %dma_start3A_148] : memref<4096x200x64xf32, #tpu.memory_space<hbm>> -> memref<1x200x64xf32, #tpu.memory_space<hbm>>
        %dma_start3A_150 = tpu.memref_squeeze %dma_start3A_149 : memref<1x200x64xf32, #tpu.memory_space<hbm>> -> memref<200x64xf32, #tpu.memory_space<hbm>>
        %dma_start3A_151 = arith.constant 0 : i32
        %dma_start3A_152 = arith.constant 0 : i32
        %dma_start3A_153 = tpu.memref_slice %arg5[%add3A_146, %dma_start3A_151, %dma_start3A_152] : memref<4096x200x64xf32, #tpu.memory_space<hbm>> -> memref<1x200x64xf32, #tpu.memory_space<hbm>>
        %dma_start3A_154 = tpu.memref_squeeze %dma_start3A_153 : memref<1x200x64xf32, #tpu.memory_space<hbm>> -> memref<200x64xf32, #tpu.memory_space<hbm>>
        tpu.enqueue_dma source(%arg13 : memref<200x64xf32, #tpu.memory_space<vmem>>) target(%dma_start3A_154 : memref<200x64xf32, #tpu.memory_space<hbm>>) target_semaphore(%arg25 : memref<!tpu.dma_semaphore, #tpu.memory_space<semaphore_mem>>)
        %add3A_155 = arith.constant 6 : i32
        %add3A_156 = arith.addi %add3A_128, %add3A_155 : i32
        %sub3A = arith.constant 2 : i32
        %sub3A_157 = arith.subi %add3A_156, %sub3A : i32
        %lt3A_158 = arith.constant 128 : i32
        %lt3A_159 = arith.cmpi slt, %sub3A_157, %lt3A_158 : i32
        %convert_element_type3A_160 = arith.extui %lt3A_159 : i1 to i32
        %cond3A_161 = arith.constant 0 : i32
        %cond3A_162 = arith.cmpi ne, %convert_element_type3A_160, %cond3A_161 : i32
        scf.if %cond3A_162 {
          %ge3A = arith.constant 2 : i32
          %ge3A_163 = arith.cmpi sge, %add3A_128, %ge3A : i32
          %convert_element_type3A_164 = arith.extui %ge3A_163 : i1 to i32
          %cond3A_165 = arith.constant 0 : i32
          %cond3A_166 = arith.cmpi ne, %convert_element_type3A_164, %cond3A_165 : i32
          scf.if %cond3A_166 {
            %dma_wait3A_173 = arith.constant 0 : i32
            %dma_wait3A_174 = arith.constant 0 : i32
            %dma_wait3A_175 = tpu.memref_slice %arg5[%mul3A_2, %dma_wait3A_173, %dma_wait3A_174] : memref<4096x200x64xf32, #tpu.memory_space<hbm>> -> memref<1x200x64xf32, #tpu.memory_space<hbm>>
            %dma_wait3A_176 = tpu.memref_squeeze %dma_wait3A_175 : memref<1x200x64xf32, #tpu.memory_space<hbm>> -> memref<200x64xf32, #tpu.memory_space<hbm>>
            %dma_wait3A_177 = arith.constant 0 : i32
            %dma_wait3A_178 = arith.constant 0 : i32
            %dma_wait3A_179 = tpu.memref_slice %arg5[%mul3A_2, %dma_wait3A_177, %dma_wait3A_178] : memref<4096x200x64xf32, #tpu.memory_space<hbm>> -> memref<1x200x64xf32, #tpu.memory_space<hbm>>
            %dma_wait3A_180 = tpu.memref_squeeze %dma_wait3A_179 : memref<1x200x64xf32, #tpu.memory_space<hbm>> -> memref<200x64xf32, #tpu.memory_space<hbm>>
            tpu.wait_dma2 semaphore(%arg23 : memref<!tpu.dma_semaphore, #tpu.memory_space<semaphore_mem>>) src(%arg11 : memref<200x64xf32, #tpu.memory_space<vmem>>) dst(%dma_wait3A_180 : memref<200x64xf32, #tpu.memory_space<hbm>>)
          } else {
          }
          %dma_start3A_167 = arith.constant 0 : i32
          %dma_start3A_168 = tpu.memref_slice %arg7[%sub3A_157, %dma_start3A_167] : memref<128x200xi32, #tpu.memory_space<vmem>> -> memref<1x200xi32, #tpu.memory_space<vmem>>
          %dma_start3A_169 = tpu.memref_squeeze %dma_start3A_168 : memref<1x200xi32, #tpu.memory_space<vmem>> -> memref<200xi32, #tpu.memory_space<vmem>>
          %dma_start3A_170 = arith.constant 0 : i32
          %dma_start3A_171 = arith.constant 0 : i32
          %dma_start3A_172 = tpu.memref_slice %arg3[%dma_start3A_170, %dma_start3A_171] : memref<1000000x64xf32, #tpu.memory_space<hbm>> -> memref<1000000x64xf32, #tpu.memory_space<hbm>>
          tpu.enqueue_indirect_dma source(%dma_start3A_172 : memref<1000000x64xf32, #tpu.memory_space<hbm>>) target(%arg11 : memref<200x64xf32, #tpu.memory_space<vmem>>) offsets(%dma_start3A_169 : memref<200xi32, #tpu.memory_space<vmem>>) semaphore(%arg17 : memref<!tpu.dma_semaphore, #tpu.memory_space<semaphore_mem>>)
        } else {
        }
      } else {
      }
    }
    %scan3A_34 = arith.constant 22 : i32
    %dma_wait3A = arith.constant 0 : i32
    %dma_wait3A_35 = arith.constant 0 : i32
    %dma_wait3A_36 = tpu.memref_slice %arg5[%mul3A_2, %dma_wait3A, %dma_wait3A_35] : memref<4096x200x64xf32, #tpu.memory_space<hbm>> -> memref<1x200x64xf32, #tpu.memory_space<hbm>>
    %dma_wait3A_37 = tpu.memref_squeeze %dma_wait3A_36 : memref<1x200x64xf32, #tpu.memory_space<hbm>> -> memref<200x64xf32, #tpu.memory_space<hbm>>
    %dma_wait3A_38 = arith.constant 0 : i32
    %dma_wait3A_39 = arith.constant 0 : i32
    %dma_wait3A_40 = tpu.memref_slice %arg5[%mul3A_2, %dma_wait3A_38, %dma_wait3A_39] : memref<4096x200x64xf32, #tpu.memory_space<hbm>> -> memref<1x200x64xf32, #tpu.memory_space<hbm>>
    %dma_wait3A_41 = tpu.memref_squeeze %dma_wait3A_40 : memref<1x200x64xf32, #tpu.memory_space<hbm>> -> memref<200x64xf32, #tpu.memory_space<hbm>>
    tpu.wait_dma2 semaphore(%arg20 : memref<!tpu.dma_semaphore, #tpu.memory_space<semaphore_mem>>) src(%arg8 : memref<200x64xf32, #tpu.memory_space<vmem>>) dst(%dma_wait3A_41 : memref<200x64xf32, #tpu.memory_space<hbm>>)
    %dma_wait3A_42 = arith.constant 0 : i32
    %dma_wait3A_43 = arith.constant 0 : i32
    %dma_wait3A_44 = tpu.memref_slice %arg5[%mul3A_2, %dma_wait3A_42, %dma_wait3A_43] : memref<4096x200x64xf32, #tpu.memory_space<hbm>> -> memref<1x200x64xf32, #tpu.memory_space<hbm>>
    %dma_wait3A_45 = tpu.memref_squeeze %dma_wait3A_44 : memref<1x200x64xf32, #tpu.memory_space<hbm>> -> memref<200x64xf32, #tpu.memory_space<hbm>>
    %dma_wait3A_46 = arith.constant 0 : i32
    %dma_wait3A_47 = arith.constant 0 : i32
    %dma_wait3A_48 = tpu.memref_slice %arg5[%mul3A_2, %dma_wait3A_46, %dma_wait3A_47] : memref<4096x200x64xf32, #tpu.memory_space<hbm>> -> memref<1x200x64xf32, #tpu.memory_space<hbm>>
    %dma_wait3A_49 = tpu.memref_squeeze %dma_wait3A_48 : memref<1x200x64xf32, #tpu.memory_space<hbm>> -> memref<200x64xf32, #tpu.memory_space<hbm>>
    tpu.wait_dma2 semaphore(%arg21 : memref<!tpu.dma_semaphore, #tpu.memory_space<semaphore_mem>>) src(%arg9 : memref<200x64xf32, #tpu.memory_space<vmem>>) dst(%dma_wait3A_49 : memref<200x64xf32, #tpu.memory_space<hbm>>)
    %dma_wait3A_50 = arith.constant 0 : i32
    %dma_wait3A_51 = arith.constant 0 : i32
    %dma_wait3A_52 = tpu.memref_slice %arg5[%mul3A_2, %dma_wait3A_50, %dma_wait3A_51] : memref<4096x200x64xf32, #tpu.memory_space<hbm>> -> memref<1x200x64xf32, #tpu.memory_space<hbm>>
    %dma_wait3A_53 = tpu.memref_squeeze %dma_wait3A_52 : memref<1x200x64xf32, #tpu.memory_space<hbm>> -> memref<200x64xf32, #tpu.memory_space<hbm>>
    %dma_wait3A_54 = arith.constant 0 : i32
    %dma_wait3A_55 = arith.constant 0 : i32
    %dma_wait3A_56 = tpu.memref_slice %arg5[%mul3A_2, %dma_wait3A_54, %dma_wait3A_55] : memref<4096x200x64xf32, #tpu.memory_space<hbm>> -> memref<1x200x64xf32, #tpu.memory_space<hbm>>
    %dma_wait3A_57 = tpu.memref_squeeze %dma_wait3A_56 : memref<1x200x64xf32, #tpu.memory_space<hbm>> -> memref<200x64xf32, #tpu.memory_space<hbm>>
    tpu.wait_dma2 semaphore(%arg22 : memref<!tpu.dma_semaphore, #tpu.memory_space<semaphore_mem>>) src(%arg10 : memref<200x64xf32, #tpu.memory_space<vmem>>) dst(%dma_wait3A_57 : memref<200x64xf32, #tpu.memory_space<hbm>>)
    %dma_wait3A_58 = arith.constant 0 : i32
    %dma_wait3A_59 = arith.constant 0 : i32
    %dma_wait3A_60 = tpu.memref_slice %arg5[%mul3A_2, %dma_wait3A_58, %dma_wait3A_59] : memref<4096x200x64xf32, #tpu.memory_space<hbm>> -> memref<1x200x64xf32, #tpu.memory_space<hbm>>
    %dma_wait3A_61 = tpu.memref_squeeze %dma_wait3A_60 : memref<1x200x64xf32, #tpu.memory_space<hbm>> -> memref<200x64xf32, #tpu.memory_space<hbm>>
    %dma_wait3A_62 = arith.constant 0 : i32
    %dma_wait3A_63 = arith.constant 0 : i32
    %dma_wait3A_64 = tpu.memref_slice %arg5[%mul3A_2, %dma_wait3A_62, %dma_wait3A_63] : memref<4096x200x64xf32, #tpu.memory_space<hbm>> -> memref<1x200x64xf32, #tpu.memory_space<hbm>>
    %dma_wait3A_65 = tpu.memref_squeeze %dma_wait3A_64 : memref<1x200x64xf32, #tpu.memory_space<hbm>> -> memref<200x64xf32, #tpu.memory_space<hbm>>
    tpu.wait_dma2 semaphore(%arg23 : memref<!tpu.dma_semaphore, #tpu.memory_space<semaphore_mem>>) src(%arg11 : memref<200x64xf32, #tpu.memory_space<vmem>>) dst(%dma_wait3A_65 : memref<200x64xf32, #tpu.memory_space<hbm>>)
    %dma_wait3A_66 = arith.constant 0 : i32
    %dma_wait3A_67 = arith.constant 0 : i32
    %dma_wait3A_68 = tpu.memref_slice %arg5[%mul3A_2, %dma_wait3A_66, %dma_wait3A_67] : memref<4096x200x64xf32, #tpu.memory_space<hbm>> -> memref<1x200x64xf32, #tpu.memory_space<hbm>>
    %dma_wait3A_69 = tpu.memref_squeeze %dma_wait3A_68 : memref<1x200x64xf32, #tpu.memory_space<hbm>> -> memref<200x64xf32, #tpu.memory_space<hbm>>
    %dma_wait3A_70 = arith.constant 0 : i32
    %dma_wait3A_71 = arith.constant 0 : i32
    %dma_wait3A_72 = tpu.memref_slice %arg5[%mul3A_2, %dma_wait3A_70, %dma_wait3A_71] : memref<4096x200x64xf32, #tpu.memory_space<hbm>> -> memref<1x200x64xf32, #tpu.memory_space<hbm>>
    %dma_wait3A_73 = tpu.memref_squeeze %dma_wait3A_72 : memref<1x200x64xf32, #tpu.memory_space<hbm>> -> memref<200x64xf32, #tpu.memory_space<hbm>>
    tpu.wait_dma2 semaphore(%arg24 : memref<!tpu.dma_semaphore, #tpu.memory_space<semaphore_mem>>) src(%arg12 : memref<200x64xf32, #tpu.memory_space<vmem>>) dst(%dma_wait3A_73 : memref<200x64xf32, #tpu.memory_space<hbm>>)
    %dma_wait3A_74 = arith.constant 0 : i32
    %dma_wait3A_75 = arith.constant 0 : i32
    %dma_wait3A_76 = tpu.memref_slice %arg5[%mul3A_2, %dma_wait3A_74, %dma_wait3A_75] : memref<4096x200x64xf32, #tpu.memory_space<hbm>> -> memref<1x200x64xf32, #tpu.memory_space<hbm>>
    %dma_wait3A_77 = tpu.memref_squeeze %dma_wait3A_76 : memref<1x200x64xf32, #tpu.memory_space<hbm>> -> memref<200x64xf32, #tpu.memory_space<hbm>>
    %dma_wait3A_78 = arith.constant 0 : i32
    %dma_wait3A_79 = arith.constant 0 : i32
    %dma_wait3A_80 = tpu.memref_slice %arg5[%mul3A_2, %dma_wait3A_78, %dma_wait3A_79] : memref<4096x200x64xf32, #tpu.memory_space<hbm>> -> memref<1x200x64xf32, #tpu.memory_space<hbm>>
    %dma_wait3A_81 = tpu.memref_squeeze %dma_wait3A_80 : memref<1x200x64xf32, #tpu.memory_space<hbm>> -> memref<200x64xf32, #tpu.memory_space<hbm>>
    tpu.wait_dma2 semaphore(%arg25 : memref<!tpu.dma_semaphore, #tpu.memory_space<semaphore_mem>>) src(%arg13 : memref<200x64xf32, #tpu.memory_space<vmem>>) dst(%dma_wait3A_81 : memref<200x64xf32, #tpu.memory_space<hbm>>)
    return
  }
}

</mosaic_0001>

<sc_bundles>
// kernel: kernel.3.cloned.1.call-start
scs
__scs_entry_jumppad:
0x0: {  	(pc) =	sbr.rel $0x88, $3  }
0x1: {  	(tag) =	ssettag $0x0;
	lr =	simm.s32 $0x1  }
0x2: {  	[smem:$0x3F9E] =	sst lr;
	_ =	strace $0xD0000000  }
0x3: {  	_ = 	snop  }
0x4: {  	_ = 	snop  }
0x5: {  	_ = 	snop  }
0x6: {  	_ = 	snop  }
0x7: {  	_ = 	snop  }
__scs_overlays_trampoline_lowered:
0x8: {  	[smem:$0x3FAD] =	sst s0  }
0x9: {  	[smem:$0x3FAE] =	sst s1  }
0xa: {  	[smem:$0x3FAF] =	sst s2  }
0xb: {  	[smem:$0x3FB0] =	sst s3  }
0xc: {  	[smem:$0x3FB1] =	sst s4  }
0xd: {  	[smem:$0x3FB2] =	sst s5  }
0xe: {  	[smem:$0x3FB3] =	sst s6  }
0xf: {  	[smem:$0x3FB4] =	sst s7  }
0x10: {  	[smem:$0x3FB5] =	sst s8  }
0x11: {  	[smem:$0x3FB6] =	sst s9;
	s0 =	simm.s32 @!p0 $0x0  }
0x12: {  	s1 =	sld [smem:$0x3F9C];
	s0 =	simm.s32 @p0 $0x1  }
0x13: {  	[smem:$0x3FB7] =	sst s0;
	s0 =	simm.s32 @!p1 $0x0  }
0x14: {  	s2 =	sld [smem:$0x3F9B];
	s0 =	simm.s32 @p1 $0x1  }
0x15: {  	[smem:$0x3FB8] =	sst s0;
	s0 =	simm.s32 @!p2 $0x0  }
0x16: {  	s3 =	sld [smem:$0x3FDB];
	s0 =	simm.s32 @p2 $0x1  }
0x17: {  	s4 =	simm.s32 $0x1BF5;
	[smem:$0x3FBA] =	sst s0  }
0x18: {  	s0 =	sld [smem:$0x3F9D];
	_ =	swait.ge [sflag:s4], $0x0  }
0x19: {  	s7 =	sld [smem:$0x3F9E]  }
0x1a: {  	s8 =	sadd.s32 $0xFFFFE003, lr  }
0x1b: {  	s9 =	sadd.s32 $0xFFFFFEF7, lr;
	s5 =	simm.s32 $0xFFFFFFFF;
	p2 =	slt.u32 s8, $0xFFFFF086  }
0x1c: {  	p1 =	slt.u32 s9, $0xF7A;
	s5 =	simm.s32 @!p2 $0x0  }
0x1d: {  	s5 =	simm.s32 @p1 $0x1;
	p0 =	seq.s32 s7, s2  }
0x1e: {  	s7 =	smul.u32 @!p0 $0xF7A, s2;
	p2 =	seq.s32 @!p0 s5, $0x0  }
0x1f: {  	s9 =	smul.u32 $0xF7A, s1;
	s8 =	simm.s32 @!p0 $0x1BF5;
	p2 =	por !p2, p0  }
0x20: {  	[sflag:s8] =	ssyncset.s32 @!p0 $0xFFFFF086;
	s6 =	sadd.s32 @!p0 s3, s7;
	s7 =	simm.s32 @!p0 $0x108  }
0x21: {  	s3 =	sadd.s32 s3, s9;
	s6 =	sadd.s32 @!p0 $0x88, s6;
	s7 =	simm.s32 @p2 $0x1082  }
0x22: {  	[simem:s7], [sflag:s8] =	dma.local @!p0 [hbm:s6], $0xF7A  }
0x23: {  	s9 =	sor.u32 $0xD0000000, s2;
	s6 =	simm.s32 $0x108;
	_ =	swait.ge @!p0 [sflag:s8], $0x0  }
0x24: {  	s3 =	sadd.s32 $0x88, s3;
	s6 =	simm.s32 @!p1 $0x1082;
	[sflag:s4] =	ssyncset.s32 $0xFFFFF086  }
0x25: {  	[simem:s6], [sflag:s4] =	dma.local [hbm:s3], $0xF7A  }
0x26: {  	[smem:$0x3F9E] =	sst s1;
	(tag) =	ssettag s2;
	_ =	strace s9  }
0x27: {  	s1 =	sld [smem:$0x3FAE]  }
0x28: {  	s2 =	sld [smem:$0x3FAF]  }
0x29: {  	s4 =	sld [smem:$0x3FB1]  }
0x2a: {  	p0 =	seq.s32 s5, $0x0;
	s5 =	sld [smem:$0x3FB2]  }
0x2b: {  	s6 =	sld [smem:$0x3FB3]  }
0x2c: {  	s7 =	sld [smem:$0x3FB4]  }
0x2d: {  	s3 =	simm.s32 $0x108;
	s8 =	sld [smem:$0x3FB5]  }
0x2e: {  	s3 =	simm.s32 @!p0 $0x1082;
	s9 =	sld [smem:$0x3FB6]  }
0x2f: {  	lr =	sadd.s32 s0, s3;
	s0 =	sld [smem:$0x3FAD]  }
0x30: {  	s3 =	sld [smem:$0x3FB0]  }
0x31: {  	[smem:$0x3FB9] =	sst s10  }
0x32: {  	s10 =	sld [smem:$0x3FB7];
	_ =	sdelay $0x3  }
0x33: {  	p0 =	seq.s32 s10, $0x1;
	s10 =	sld [smem:$0x3FB9];
	_ =	sdelay $0x3  }
0x34: {  	[smem:$0x3FB9] =	sst s10  }
0x35: {  	s10 =	sld [smem:$0x3FB8];
	_ =	sdelay $0x3  }
0x36: {  	p1 =	seq.s32 s10, $0x1;
	s10 =	sld [smem:$0x3FB9];
	_ =	sdelay $0x3  }
0x37: {  	[smem:$0x3FB9] =	sst s10  }
0x38: {  	s10 =	sld [smem:$0x3FBA]  }
0x39: {  	_ = 	snop;
	(pc) =	sbr.ind lr, $3  }
0x3a: {  	_ = 	snop  }
0x3b: {  	_ = 	snop  }
0x3c: {  	p2 =	seq.s32 s10, $0x1;
	s10 =	sld [smem:$0x3FB9]  }
0x3d: {  	_ =	shalt  }
0x3e: {  	_ =	shalt  }
0x3f: {  	_ =	shalt  }
0x40: {  	_ =	shalt  }
0x41: {  	_ =	shalt  }
0x42: {  	_ =	shalt  }
0x43: {  	_ =	shalt  }
0x44: {  	_ =	shalt  }
0x45: {  	_ =	shalt  }
0x46: {  	_ =	shalt  }
0x47: {  	_ =	shalt  }
0x48: {  	_ =	shalt  }
0x49: {  	_ =	shalt  }
0x4a: {  	_ =	shalt  }
0x4b: {  	_ =	shalt  }
0x4c: {  	_ =	shalt  }
0x4d: {  	_ =	shalt  }
0x4e: {  	_ =	shalt  }
0x4f: {  	_ =	shalt  }
0x50: {  	_ =	shalt  }
0x51: {  	_ =	shalt  }
0x52: {  	_ =	shalt  }
0x53: {  	_ =	shalt  }
0x54: {  	_ =	shalt  }
0x55: {  	_ =	shalt  }
0x56: {  	_ =	shalt  }
0x57: {  	_ =	shalt  }
0x58: {  	_ =	shalt  }
0x59: {  	_ =	shalt  }
0x5a: {  	_ =	shalt  }
0x5b: {  	_ =	shalt  }
0x5c: {  	_ =	shalt  }
0x5d: {  	_ =	shalt  }
0x5e: {  	_ =	shalt  }
0x5f: {  	_ =	shalt  }
0x60: {  	_ =	shalt  }
0x61: {  	_ =	shalt  }
0x62: {  	_ =	shalt  }
0x63: {  	_ =	shalt  }
0x64: {  	_ =	shalt  }
0x65: {  	_ =	shalt  }
0x66: {  	_ =	shalt  }
0x67: {  	_ =	shalt  }
0x68: {  	_ =	shalt  }
0x69: {  	_ =	shalt  }
0x6a: {  	_ =	shalt  }
0x6b: {  	_ =	shalt  }
0x6c: {  	_ =	shalt  }
0x6d: {  	_ =	shalt  }
0x6e: {  	_ =	shalt  }
0x6f: {  	_ =	shalt  }
0x70: {  	_ =	shalt  }
0x71: {  	_ =	shalt  }
0x72: {  	_ =	shalt  }
0x73: {  	_ =	shalt  }
0x74: {  	_ =	shalt  }
0x75: {  	_ =	shalt  }
0x76: {  	_ =	shalt  }
0x77: {  	_ =	shalt  }
0x78: {  	_ =	shalt  }
0x79: {  	_ =	shalt  }
0x7a: {  	_ =	shalt  }
0x7b: {  	_ =	shalt  }
0x7c: {  	_ =	shalt  }
0x7d: {  	_ =	shalt  }
0x7e: {  	_ =	shalt  }
0x7f: {  	_ =	shalt  }
0x80: {  	_ =	shalt  }
0x81: {  	_ =	shalt  }
0x82: {  	_ =	shalt  }
0x83: {  	_ =	shalt  }
0x84: {  	_ =	shalt  }
0x85: {  	_ =	shalt  }
0x86: {  	_ =	shalt  }
0x87: {  	_ =	shalt  }
.Lfunc_end0:
.L_simem_size_0:
called_computation.1_lowered:
.L_overlay_start_0:
0x88: {  	s2 =	sld [smem:$0x3FD9]  }
0x89: {  	s3 =	sld [smem:$0x3FFE];
	_ =	sdelay $0x1  }
0x8a: {  	s1 =	srdreg.scid  }
0x8b: {  	s0 =	sand.u32 $0x1, s1  }
0x8c: {  	s17 =	sshll.u32 s0, $0xA;
	s2 =	sadd.s32 s3, s2  }
0x8d: {  	s2 =	sadd.s32 s2, s17  }
0x8e: {  	[smem:$0x3FC5] =	sst s2  }
0x8f: {  	_ = 	snop  }
0x90: {  	s2 =	sld [smem:$0x3FD0];
	(tm) =	ssettm $0x1  }
0x91: {  	s18 =	sld [smem:$0x3FFB];
	_ =	sdelay $0x3  }
0x92: {  	_ =	strace s18  }
0x93: {  	s3 =	sld [smem:$0x3FFC];
	_ =	sdelay $0x3  }
0x94: {  	_ =	strace s3  }
0x95: {  	s3 =	sld [smem:$0x3FFD];
	_ =	sdelay $0x3  }
0x96: {  	_ =	strace s3  }
0x97: {  	_ =	strace $0x8FFFFFFF  }
0x98: {  	s19 =	sld [smem:$0x3FDB];
	_ =	sdelay $0x1  }
0x99: {  	s4 =	simm.s32 $_scs_section_size  }
0x9a: {  	s5 =	simm.s32 $_size__tile_overlayer_lowered;
	s6 =	simm.s32 $_tile_overlayer_lowered  }
0x9b: {  	s22 =	simm.s32 $0x1BFF;
	s21 =	sshll.u32 s6, $0x1;
	s3 =	sadd.s32 s4, s19  }
0x9c: {  	s7 =	simm.s32 $0x0;
	s20 =	sshll.u32 s5, $0x1;
	s5 =	sadd.s32 s21, s3  }
0x9d: {  	[timem:s7], [sflag:s22] =	dma.local [hbm:s5], s20  }
0x9e: {  	_ =	swait.ge [sflag:s22], s20  }
0x9f: {  	s4 =	ssub.s32 $0x0, s20;
	[sflag:s22] =	ssyncset.done $0x0  }
0xa0: {  	[sflag:s22] =	ssyncadd.s32 s4;
	_ =	sdelay $0x1  }
0xa1: {  	s23 =	simm.s32 $0x1B8B  }
0xa2: {  	_ =	swait.ge [sflag:s23], $0x1  }
0xa3: {  	[sflag:s23] =	ssyncset.done $0x0  }
0xa4: {  	s25 =	simm.s32 $0x1B8E;
	s24 =	sld [smem:$0x3FFE];
	[sflag:s23] =	ssyncadd.s32 $0xFFFFFFFF  }
0xa5: {  	s26 =	simm.s32 $execute0_lowered;
	[smem:$0x3FD2] =	sst s25  }
0xa6: {  	s5 =	sshll.u32 s26, $0x1;
	_ =	strace $0x80000046;
	[dreg:$0x1] =	wrdreg $0xFFFFFFFF  }
0xa7: {  	s28 =	simm.s32 $_size_execute0_lowered;
	s3 =	sadd.s32 s3, s5;
	[dreg:$0x0] =	wrdreg $0x0  }
0xa8: {  	s5 =	sshll.u32 s28, $0x1;
	[dreg:$0x2] =	wrdreg s3  }
0xa9: {  	[dreg:$0x3] =	wrdreg s5  }
0xaa: {  	[dreg:$0x4] =	wrdreg $0xC0  }
0xab: {  	_ =	task [dreg:s7], $0x5FFFF  }
0xac: {  	[dreg:$0x1] =	wrdreg $0xFFFFFFFF  }
0xad: {  	[dreg:$0x0] =	wrdreg $0x60  }
0xae: {  	[dreg:$0x2] =	wrdreg s24  }
0xaf: {  	[dreg:$0x3] =	wrdreg s2  }
0xb0: {  	[dreg:$0x4] =	wrdreg $0x9  }
0xb1: {  	_ =	task.clear_ibuf [dreg:s7], $0x5FFFF;
	_ =	strace $0x90000046  }
0xb2: {  	s29 =	simm.s32 $0x9;
	_ =	strace $0x80000048  }
0xb3: {  	_ =	swait.ge [sflag:s29], $0x1  }
0xb4: {  	[sflag:s29] =	ssyncadd.s32 $0xFFFFFFFF  }
0xb5: {  	_ =	strace $0x90000048  }
0xb6: {  	_ =	sfence  }
0xb7: {  	s30 =	sld [smem:$0x0];
	_ =	sdelay $0x2  }
0xb8: {  	s31 =	sshll.u32 s1, $0xD;
	s1 =	sshrl.u32 s1, $0x2  }
0xb9: {  	s3 =	sand.u32 $0x4000, s31;
	s1 =	sadd.s32 s1, s30  }
0xba: {  	s0 =	sor.u32 s3, s0;
	s1 =	sshll.u32 s1, $0x11  }
0xbb: {  	s0 =	sor.u32 s1, s0  }
0xbc: {  	s0 =	sadd.s32 $0x8F2B, s0  }
0xbd: {  	[sflag:s0] =	ssyncadd.remote.s32 $0x1  }
0xbe: {  	_ =	sfence.sel $0xFFFF  }
0xbf: {  	[dreg:$0x0] =	wrdreg $0xFFFFFFFF;
	(pc) =	sbr.abs _section_cstart, $3  }
0xc0: {  	[dreg:$0x1] =	wrdreg $0xFFFFFFFF  }
0xc1: {  	_ =	task.clear_ibuf [dreg:s7], $0x2FFFF;
	_ =	strace $0x9FFFFFFF  }
0xc2: {  	(tm) =	ssettm $0x7FFFFFFF  }
0xc3: {  	_ =	shalt  }
tec
execute0_lowered:
.L_overlay_start_1:
0x0: {  	(tag) =	ssettag $0x1  }
0x1: {  	s0 =	srdreg.scid  }
0x2: {  	s2 =	stileid.u32;
	s1 =	rddreg [dreg:$0x0];
	s15 =	simm.s32 $0xC8  }
0x3: {  	s16 =	simm.s32 $0x9600;
	s18 =	simm.s32 $0xC800;
	s20 =	simm.s32 $0xFA00  }
0x4: {  	s22 =	simm.s32 $0x12C00;
	s23 =	simm.s32 $0x1;
	s24 =	simm.s32 $0x15E00  }
0x5: {  	s28 =	simm.s32 $0x19000;
	s29 =	simm.s32 $0x3;
	s30 =	simm.s32 $0x7  }
0x6: {  	s31 =	simm.s32 $0x4;
	s17 =	simm.s32 $0x6;
	s13 =	simm.s32 $0xC  }
0x7: {  	s12 =	simm.s32 $0x0;
	s0 =	sand.u32 $0x1, s0;
	s3 =	sshll.u32 s2, $0x8  }
0x8: {  	s2 =	rddreg [dreg:$0x1];
	s4 =	sshll.u32 s0, $0x7;
	s0 =	ssub.s32 $0x2, s0  }
0x9: {  	s3 =	sor.u32 s4, s3;
	s4 =	simm.s32 $0x0;
	s25 =	sshrl.u32 s0, $0x1  }
0xa: {  	s5 =	smul.u32 $0x19, s3;
	[smem:$0x7FF] =	sst s4;
	s0 =	ssub.s32 s0, s25  }
0xb: {  	s8 =	sor.u32 $0x1, s3;
	s9 =	sor.u32 $0x3, s3;
	s10 =	sor.u32 $0x4, s3  }
.Ltmp0:
0xc: {  	s11 =	sor.u32 $0x5, s3;
	s25 =	simm.s32 $0x2;
	(pc) =	sbr.rel .LBB2_1-.Ltmp0, $4  }
0xd: {  	_ =	strace $0x80000047;
	s0 =	smax.u32 s0, $0x1;
	s6 =	sadd.s32 s5, s1  }
0xe: {  	s5 =	sadd.s32 $0xF43000, s1;
	s1 =	sadd.s32 $0x19C00, s1;
	[dreg:$0x5] =	wrdreg s0  }
0xf: {  	s0 =	simm.s32 $0x5;
	[dreg:$0x3] =	wrdreg s1;
	s26 =	sadd.s32 $0xC00, s6  }
0x10: {  	s1 =	simm.s32 $0x8;
	s6 =	simm.s32 $0xB;
	[dreg:$0x4] =	wrdreg s26  }
.LBB2_22:
0x11: {  	_ =	swait.ge [sflag:s30], $0x3200  }
0x12: {  	[sflag:s30] =	ssyncset.done $0x0  }
0x13: {  	[sflag:s30] =	ssyncadd.s32 $0xFFFFCE00  }
0x14: {  	_ =	swait.ge [sflag:s1], $0x3200  }
0x15: {  	[sflag:s1] =	ssyncset.done $0x0  }
0x16: {  	s7 =	simm.s32 $0x9;
	[sflag:s1] =	ssyncadd.s32 $0xFFFFCE00  }
0x17: {  	_ =	swait.ge [sflag:s7], $0x3200  }
0x18: {  	[sflag:s7] =	ssyncset.done $0x0  }
0x19: {  	s21 =	simm.s32 $0xA;
	[sflag:s7] =	ssyncadd.s32 $0xFFFFCE00  }
0x1a: {  	_ =	swait.ge [sflag:s21], $0x3200  }
0x1b: {  	[sflag:s21] =	ssyncset.done $0x0  }
0x1c: {  	[sflag:s21] =	ssyncadd.s32 $0xFFFFCE00  }
0x1d: {  	_ =	swait.ge [sflag:s6], $0x3200  }
0x1e: {  	[sflag:s6] =	ssyncset.done $0x0  }
0x1f: {  	[sflag:s6] =	ssyncadd.s32 $0xFFFFCE00  }
0x20: {  	_ =	swait.ge [sflag:s13], $0x3200  }
0x21: {  	s12 =	rddreg [dreg:$0x6]  }
0x22: {  	s26 =	rddreg [dreg:$0x5];
	s12 =	sadd.s32 $0x1, s12  }
0x23: {  	p0 =	sne.s32 s12, s26  }
.Ltmp1:
0x24: {  	_ = 	snop;
	(pc) =	sbr.rel @!p0 .LBB2_23-.Ltmp1, $3  }
0x25: {  	_ =	sdelay $0x1  }
0x26: {  	[sflag:s13] =	ssyncset.done $0x0  }
0x27: {  	[sflag:s13] =	ssyncadd.s32 $0xFFFFCE00  }
.LBB2_1:
0x28: {  	[dreg:$0x6] =	wrdreg s12  }
0x29: {  	s7 =	rddreg [dreg:$0x4];
	s21 =	simm.s32 $0x3200;
	s14 =	simm.s32 $0xD  }
0x2a: {  	[tilespmem:s21], [sflag:$0xD] =	stream.linear.gather [hbm4b:s7+s4], $0x6400, $0x38;
	[tilespmem:$0x1C200] =	vst v63  }
0x2b: {  	_ =	swait.ge [sflag:s14], $0x6400  }
0x2c: {  	[sflag:s14] =	ssyncset.done $0x0  }
0x2d: {  	s26 =	rddreg [dreg:$0x3];
	[sflag:s14] =	ssyncadd.s32 $0xFFFF9C00  }
0x2e: {  	[tilespmem:s4], [sflag:$0xD] =	stream.linear.gather [hbm4b:s26+s4], $0x3200, $0x38;
	[tilespmem:$0x1C200] =	vst v63  }
0x2f: {  	_ =	swait.ge [sflag:s14], $0x3200  }
0x30: {  	[sflag:s14] =	ssyncset.done $0x0  }
0x31: {  	[sflag:s14] =	ssyncadd.s32 $0xFFFFCE00  }
0x32: {  	[tilespmem:s16], [sflag:$0x1] =	stream.indirect.gather [hbm4b:s5+s15], $0x40, s21, s15, $0xb8;
	[tilespmem:$0x1C200] =	vst v63  }
0x33: {  	s19 =	simm.s32 $0x32C8  }
0x34: {  	[tilespmem:s18], [sflag:$0x2] =	stream.indirect.gather [hbm4b:s5+s15], $0x40, s19, s15, $0xb8;
	[tilespmem:$0x1C200] =	vst v63  }
0x35: {  	s21 =	simm.s32 $0x3390  }
0x36: {  	[tilespmem:s20], [sflag:$0x3] =	stream.indirect.gather [hbm4b:s5+s15], $0x40, s21, s15, $0xb8;
	[tilespmem:$0x1C200] =	vst v63  }
0x37: {  	s12 =	simm.s32 $0x0;
	s26 =	simm.s32 $0x3458  }
0x38: {  	[tilespmem:s22], [sflag:$0x4] =	stream.indirect.gather [hbm4b:s5+s15], $0x40, s26, s15, $0xb8;
	[tilespmem:$0x1C200] =	vst v63  }
.LBB2_2:
0x39: {  	_ =	swait.ge [sflag:s23], $0x3200  }
0x3a: {  	[sflag:s23] =	ssyncset.done $0x0  }
0x3b: {  	s21 =	simm.s32 $0x0;
	[sflag:s23] =	ssyncadd.s32 $0xFFFFCE00  }
0x3c: {  	v5 =	vld [tilespmem:s21+$0x0]  }
0x3d: {  	v6 =	vld [tilespmem:s21+$0x10]  }
0x3e: {  	v1 =	vld [tilespmem:s21+$0x20]  }
0x3f: {  	v0 =	vld [tilespmem:s21+$0x30]  }
0x40: {  	v3 =	vld [tilespmem:s21+$0x9600]  }
0x41: {  	v4 =	vld [tilespmem:s21+$0x9610]  }
0x42: {  	s14 =	simm.s32 $0x100;
	v2 =	vld [tilespmem:s21+$0x9620]  }
.LBB2_3:
0x43: {  	s19 =	sshra.s32 s14, $0x2;
	p0 =	sne.s32 s14, $0xC700;
	v7 =	vld [tilespmem:s21+$0x9630];
	v8 =	vmov v1  }
0x44: {  	v9 =	vld [tilespmem:s19+$0x0];
	v10 =	vmov v0  }
0x45: {  	v11 =	vld [tilespmem:s19+$0x10];
	v3 =	vadd.f32 v5, v3  }
.Ltmp2:
0x46: {  	v1 =	vld [tilespmem:s19+$0x20];
	v4 =	vadd.f32 v6, v4;
	(pc) =	sbr.rel @p0 .LBB2_3-.Ltmp2, $4  }
0x47: {  	v0 =	vld [tilespmem:s19+$0x30];
	[tilespmem:s21+$0x9600] =	vst v3;
	v2 =	vadd.f32 v8, v2  }
0x48: {  	v3 =	vld [tilespmem:s19+$0x9600];
	[tilespmem:s21+$0x9610] =	vst v4;
	v7 =	vadd.f32 v10, v7  }
0x49: {  	v4 =	vld [tilespmem:s19+$0x9610];
	[tilespmem:s21+$0x9620] =	vst v2;
	v5 =	vmov v9  }
0x4a: {  	s14 =	sadd.s32 $0x100, s14;
	v2 =	vld [tilespmem:s19+$0x9620];
	[tilespmem:s21+$0x9630] =	vst v7;
	v6 =	vmov v11;
	s21 =	smov.u32 s19  }
0x4b: {  	v7 =	vld [tilespmem:s21+$0x9630];
	_ =	sdelay $0x1  }
0x4c: {  	s19 =	smul.u32 $0x6, s12;
	v3 =	vadd.f32 v5, v3  }
0x4d: {  	p0 =	seq.s32 s12, $0x0;
	v4 =	vadd.f32 v6, v4  }
.Ltmp3:
0x4e: {  	s14 =	sadd.s32 s3, s19;
	[tilespmem:s21+$0x9600] =	vst v3;
	v1 =	vadd.f32 v1, v2;
	(pc) =	sbr.rel @p0 .LBB2_7-.Ltmp3, $4  }
0x4f: {  	s14 =	smul.u32 $0x640, s14;
	[tilespmem:s21+$0x9610] =	vst v4;
	v0 =	vadd.f32 v0, v7  }
0x50: {  	[tilespmem:s21+$0x9620] =	vst v1  }
0x51: {  	s14 =	sadd.s32 s2, s14;
	[tilespmem:s21+$0x9630] =	vst v0  }
0x52: {  	[hbm4b:s14+s4] =	stream.linear.scatter [tilespmem:s16], [sflag:$0x7], $0x3200, $0x38;
	[tilespmem:$0x1C200] =	vst v63  }
0x53: {  	p1 =	seq.s32 s12, $0x15  }
.Ltmp4:
0x54: {  	_ = 	snop;
	(pc) =	sbr.rel @p1 .LBB2_8-.Ltmp4, $1  }
0x55: {  	_ =	sdelay $0x3  }
0x56: {  	_ =	swait.ge [sflag:s6], $0x3200  }
0x57: {  	[sflag:s6] =	ssyncset.done $0x0  }
0x58: {  	[sflag:s6] =	ssyncadd.s32 $0xFFFFCE00  }
.LBB2_7:
0x59: {  	s14 =	smul.u32 $0x12C0, s12;
	_ =	sdelay $0x1  }
0x5a: {  	s14 =	sshra.s32 s14, $0x2  }
0x5b: {  	s14 =	sadd.s32 $0x3520, s14  }
0x5c: {  	[tilespmem:s24], [sflag:$0x5] =	stream.indirect.gather [hbm4b:s5+s15], $0x40, s14, s15, $0xb8;
	[tilespmem:$0x1C200] =	vst v63  }
.LBB2_8:
0x5d: {  	_ =	swait.ge [sflag:s25], $0x3200  }
0x5e: {  	[sflag:s25] =	ssyncset.done $0x0  }
0x5f: {  	s21 =	simm.s32 $0x0;
	[sflag:s25] =	ssyncadd.s32 $0xFFFFCE00  }
0x60: {  	v5 =	vld [tilespmem:s21+$0x0]  }
0x61: {  	v6 =	vld [tilespmem:s21+$0x10]  }
0x62: {  	v1 =	vld [tilespmem:s21+$0x20]  }
0x63: {  	v0 =	vld [tilespmem:s21+$0x30]  }
0x64: {  	v2 =	vld [tilespmem:s21+$0xC800]  }
0x65: {  	v4 =	vld [tilespmem:s21+$0xC810]  }
0x66: {  	s14 =	simm.s32 $0x100;
	v3 =	vld [tilespmem:s21+$0xC820]  }
.LBB2_9:
0x67: {  	s26 =	sshra.s32 s14, $0x2;
	p1 =	sne.s32 s14, $0xC700;
	v7 =	vld [tilespmem:s21+$0xC830];
	v8 =	vmov v1  }
0x68: {  	v9 =	vld [tilespmem:s26+$0x0];
	v10 =	vmov v0  }
0x69: {  	v11 =	vld [tilespmem:s26+$0x10];
	v2 =	vadd.f32 v5, v2  }
.Ltmp5:
0x6a: {  	v1 =	vld [tilespmem:s26+$0x20];
	v4 =	vadd.f32 v6, v4;
	(pc) =	sbr.rel @p1 .LBB2_9-.Ltmp5, $4  }
0x6b: {  	v0 =	vld [tilespmem:s26+$0x30];
	[tilespmem:s21+$0xC800] =	vst v2;
	v3 =	vadd.f32 v8, v3  }
0x6c: {  	v2 =	vld [tilespmem:s26+$0xC800];
	[tilespmem:s21+$0xC810] =	vst v4;
	v7 =	vadd.f32 v10, v7  }
0x6d: {  	v4 =	vld [tilespmem:s26+$0xC810];
	[tilespmem:s21+$0xC820] =	vst v3;
	v5 =	vmov v9  }
0x6e: {  	s14 =	sadd.s32 $0x100, s14;
	v3 =	vld [tilespmem:s26+$0xC820];
	[tilespmem:s21+$0xC830] =	vst v7;
	v6 =	vmov v11;
	s21 =	smov.u32 s26  }
0x6f: {  	v7 =	vld [tilespmem:s21+$0xC830];
	_ =	sdelay $0x1  }
0x70: {  	v2 =	vadd.f32 v5, v2  }
0x71: {  	v4 =	vadd.f32 v6, v4  }
.Ltmp6:
0x72: {  	s14 =	sadd.s32 s19, s8;
	[tilespmem:s21+$0xC800] =	vst v2;
	v1 =	vadd.f32 v1, v3;
	(pc) =	sbr.rel @p0 .LBB2_24-.Ltmp6, $4  }
0x73: {  	s14 =	smul.u32 $0x640, s14;
	[tilespmem:s21+$0xC810] =	vst v4;
	v0 =	vadd.f32 v0, v7  }
0x74: {  	[tilespmem:s21+$0xC820] =	vst v1  }
0x75: {  	s14 =	sadd.s32 s2, s14;
	[tilespmem:s21+$0xC830] =	vst v0  }
0x76: {  	[hbm4b:s14+s4] =	stream.linear.scatter [tilespmem:s18], [sflag:$0x8], $0x3200, $0x38;
	[tilespmem:$0x1C200] =	vst v63  }
0x77: {  	p0 =	seq.s32 s12, $0x15  }
.Ltmp7:
0x78: {  	_ = 	snop;
	(pc) =	sbr.rel @p0 .LBB2_22-.Ltmp7, $1  }
0x79: {  	_ =	sdelay $0x3  }
0x7a: {  	s14 =	smul.u32 $0x12C0, s12  }
.Ltmp8:
0x7b: {  	_ = 	snop;
	(pc) =	sbr.rel .LBB2_13-.Ltmp8, $4  }
0x7c: {  	_ =	swait.ge [sflag:s13], $0x3200  }
0x7d: {  	[sflag:s13] =	ssyncset.done $0x0;
	s14 =	sshra.s32 s14, $0x2  }
0x7e: {  	s21 =	sadd.s32 $0x2, s19;
	[sflag:s13] =	ssyncadd.s32 $0xFFFFCE00;
	s14 =	sadd.s32 $0x35E8, s14  }
0x7f: {  	[tilespmem:s28], [sflag:$0x6] =	stream.indirect.gather [hbm4b:s5+s15], $0x40, s14, s15, $0xb8;
	[tilespmem:$0x1C200] =	vst v63  }
.LBB2_24:
0x80: {  	s7 =	simm.s32 $0x35E8;
	s21 =	simm.s32 $0x2  }
0x81: {  	[tilespmem:s28], [sflag:$0x6] =	stream.indirect.gather [hbm4b:s5+s15], $0x40, s7, s15, $0xb8;
	[tilespmem:$0x1C200] =	vst v63  }
.LBB2_13:
0x82: {  	_ =	swait.ge [sflag:s29], $0x3200  }
0x83: {  	[sflag:s29] =	ssyncset.done $0x0  }
0x84: {  	s14 =	simm.s32 $0x0;
	[sflag:s29] =	ssyncadd.s32 $0xFFFFCE00  }
0x85: {  	v5 =	vld [tilespmem:s14+$0x0]  }
0x86: {  	v6 =	vld [tilespmem:s14+$0x10]  }
0x87: {  	v1 =	vld [tilespmem:s14+$0x20]  }
0x88: {  	v0 =	vld [tilespmem:s14+$0x30]  }
0x89: {  	v2 =	vld [tilespmem:s14+$0xFA00]  }
0x8a: {  	v4 =	vld [tilespmem:s14+$0xFA10]  }
0x8b: {  	s26 =	simm.s32 $0x100;
	v3 =	vld [tilespmem:s14+$0xFA20]  }
.LBB2_14:
0x8c: {  	s7 =	sshra.s32 s26, $0x2;
	p0 =	sne.s32 s26, $0xC700;
	v7 =	vld [tilespmem:s14+$0xFA30];
	v8 =	vmov v1  }
0x8d: {  	v9 =	vld [tilespmem:s7+$0x0];
	v10 =	vmov v0  }
0x8e: {  	v11 =	vld [tilespmem:s7+$0x10];
	v2 =	vadd.f32 v5, v2  }
.Ltmp9:
0x8f: {  	v1 =	vld [tilespmem:s7+$0x20];
	v4 =	vadd.f32 v6, v4;
	(pc) =	sbr.rel @p0 .LBB2_14-.Ltmp9, $4  }
0x90: {  	v0 =	vld [tilespmem:s7+$0x30];
	[tilespmem:s14+$0xFA00] =	vst v2;
	v3 =	vadd.f32 v8, v3  }
0x91: {  	v2 =	vld [tilespmem:s7+$0xFA00];
	[tilespmem:s14+$0xFA10] =	vst v4;
	v7 =	vadd.f32 v10, v7  }
0x92: {  	v4 =	vld [tilespmem:s7+$0xFA10];
	[tilespmem:s14+$0xFA20] =	vst v3;
	v5 =	vmov v9  }
0x93: {  	s26 =	sadd.s32 $0x100, s26;
	v3 =	vld [tilespmem:s7+$0xFA20];
	[tilespmem:s14+$0xFA30] =	vst v7;
	v6 =	vmov v11;
	s14 =	smov.u32 s7  }
0x94: {  	v7 =	vld [tilespmem:s14+$0xFA30];
	_ =	sdelay $0x1  }
0x95: {  	v2 =	vadd.f32 v5, v2  }
0x96: {  	v4 =	vadd.f32 v6, v4  }
0x97: {  	s7 =	sadd.s32 s3, s21;
	[tilespmem:s14+$0xFA00] =	vst v2;
	v1 =	vadd.f32 v1, v3  }
0x98: {  	s7 =	smul.u32 $0x640, s7;
	[tilespmem:s14+$0xFA10] =	vst v4;
	v0 =	vadd.f32 v0, v7  }
0x99: {  	[tilespmem:s14+$0xFA20] =	vst v1  }
0x9a: {  	s21 =	simm.s32 $0x0;
	s26 =	smul.u32 $0x12C0, s12;
	s7 =	sadd.s32 s2, s7;
	[tilespmem:s14+$0xFA30] =	vst v0  }
0x9b: {  	[hbm4b:s7+s21] =	stream.linear.scatter [tilespmem:s20], [sflag:$0x9], $0x3200, $0x38;
	[tilespmem:$0x1C200] =	vst v63  }
0x9c: {  	_ =	swait.ge [sflag:s30], $0x3200  }
0x9d: {  	s21 =	sshra.s32 s26, $0x2;
	[sflag:s30] =	ssyncset.done $0x0  }
0x9e: {  	s7 =	sadd.s32 $0x36B0, s21;
	[sflag:s30] =	ssyncadd.s32 $0xFFFFCE00  }
0x9f: {  	[tilespmem:s16], [sflag:$0x1] =	stream.indirect.gather [hbm4b:s5+s15], $0x40, s7, s15, $0xb8;
	[tilespmem:$0x1C200] =	vst v63  }
0xa0: {  	_ =	swait.ge [sflag:s31], $0x3200  }
0xa1: {  	[sflag:s31] =	ssyncset.done $0x0  }
0xa2: {  	s14 =	simm.s32 $0x0;
	[sflag:s31] =	ssyncadd.s32 $0xFFFFCE00  }
0xa3: {  	v5 =	vld [tilespmem:s14+$0x0]  }
0xa4: {  	v6 =	vld [tilespmem:s14+$0x10]  }
0xa5: {  	v1 =	vld [tilespmem:s14+$0x20]  }
0xa6: {  	v0 =	vld [tilespmem:s14+$0x30]  }
0xa7: {  	v2 =	vld [tilespmem:s14+$0x12C00]  }
0xa8: {  	v4 =	vld [tilespmem:s14+$0x12C10]  }
0xa9: {  	s26 =	simm.s32 $0x100;
	v3 =	vld [tilespmem:s14+$0x12C20]  }
.LBB2_16:
0xaa: {  	s7 =	sshra.s32 s26, $0x2;
	p0 =	sne.s32 s26, $0xC700;
	v7 =	vld [tilespmem:s14+$0x12C30];
	v8 =	vmov v1  }
0xab: {  	v9 =	vld [tilespmem:s7+$0x0];
	v10 =	vmov v0  }
0xac: {  	v11 =	vld [tilespmem:s7+$0x10];
	v2 =	vadd.f32 v5, v2  }
.Ltmp10:
0xad: {  	v1 =	vld [tilespmem:s7+$0x20];
	v4 =	vadd.f32 v6, v4;
	(pc) =	sbr.rel @p0 .LBB2_16-.Ltmp10, $4  }
0xae: {  	v0 =	vld [tilespmem:s7+$0x30];
	[tilespmem:s14+$0x12C00] =	vst v2;
	v3 =	vadd.f32 v8, v3  }
0xaf: {  	v2 =	vld [tilespmem:s7+$0x12C00];
	[tilespmem:s14+$0x12C10] =	vst v4;
	v7 =	vadd.f32 v10, v7  }
0xb0: {  	v4 =	vld [tilespmem:s7+$0x12C10];
	[tilespmem:s14+$0x12C20] =	vst v3;
	v5 =	vmov v9  }
0xb1: {  	s26 =	sadd.s32 $0x100, s26;
	v3 =	vld [tilespmem:s7+$0x12C20];
	[tilespmem:s14+$0x12C30] =	vst v7;
	v6 =	vmov v11;
	s14 =	smov.u32 s7  }
0xb2: {  	v7 =	vld [tilespmem:s14+$0x12C30];
	_ =	sdelay $0x1  }
0xb3: {  	v2 =	vadd.f32 v5, v2  }
0xb4: {  	v4 =	vadd.f32 v6, v4  }
0xb5: {  	s7 =	sadd.s32 s19, s9;
	[tilespmem:s14+$0x12C00] =	vst v2;
	v1 =	vadd.f32 v1, v3  }
0xb6: {  	s7 =	smul.u32 $0x640, s7;
	[tilespmem:s14+$0x12C10] =	vst v4;
	v0 =	vadd.f32 v0, v7  }
0xb7: {  	[tilespmem:s14+$0x12C20] =	vst v1  }
0xb8: {  	s26 =	simm.s32 $0x0;
	s7 =	sadd.s32 s2, s7;
	[tilespmem:s14+$0x12C30] =	vst v0  }
0xb9: {  	[hbm4b:s7+s26] =	stream.linear.scatter [tilespmem:s22], [sflag:$0xA], $0x3200, $0x38;
	[tilespmem:$0x1C200] =	vst v63  }
0xba: {  	_ =	swait.ge [sflag:s1], $0x3200  }
0xbb: {  	[sflag:s1] =	ssyncset.done $0x0  }
0xbc: {  	s26 =	sadd.s32 $0x3778, s21;
	[sflag:s1] =	ssyncadd.s32 $0xFFFFCE00  }
0xbd: {  	[tilespmem:s18], [sflag:$0x2] =	stream.indirect.gather [hbm4b:s5+s15], $0x40, s26, s15, $0xb8;
	[tilespmem:$0x1C200] =	vst v63  }
0xbe: {  	_ =	swait.ge [sflag:s0], $0x3200  }
0xbf: {  	[sflag:s0] =	ssyncset.done $0x0  }
0xc0: {  	s14 =	simm.s32 $0x0;
	[sflag:s0] =	ssyncadd.s32 $0xFFFFCE00  }
0xc1: {  	v5 =	vld [tilespmem:s14+$0x0]  }
0xc2: {  	v6 =	vld [tilespmem:s14+$0x10]  }
0xc3: {  	v1 =	vld [tilespmem:s14+$0x20]  }
0xc4: {  	v0 =	vld [tilespmem:s14+$0x30]  }
0xc5: {  	v2 =	vld [tilespmem:s14+$0x15E00]  }
0xc6: {  	v4 =	vld [tilespmem:s14+$0x15E10]  }
0xc7: {  	s26 =	simm.s32 $0x100;
	v3 =	vld [tilespmem:s14+$0x15E20]  }
.LBB2_18:
0xc8: {  	s7 =	sshra.s32 s26, $0x2;
	p0 =	sne.s32 s26, $0xC700;
	v7 =	vld [tilespmem:s14+$0x15E30];
	v8 =	vmov v1  }
0xc9: {  	v9 =	vld [tilespmem:s7+$0x0];
	v10 =	vmov v0  }
0xca: {  	v11 =	vld [tilespmem:s7+$0x10];
	v2 =	vadd.f32 v5, v2  }
.Ltmp11:
0xcb: {  	v1 =	vld [tilespmem:s7+$0x20];
	v4 =	vadd.f32 v6, v4;
	(pc) =	sbr.rel @p0 .LBB2_18-.Ltmp11, $4  }
0xcc: {  	v0 =	vld [tilespmem:s7+$0x30];
	[tilespmem:s14+$0x15E00] =	vst v2;
	v3 =	vadd.f32 v8, v3  }
0xcd: {  	v2 =	vld [tilespmem:s7+$0x15E00];
	[tilespmem:s14+$0x15E10] =	vst v4;
	v7 =	vadd.f32 v10, v7  }
0xce: {  	v4 =	vld [tilespmem:s7+$0x15E10];
	[tilespmem:s14+$0x15E20] =	vst v3;
	v5 =	vmov v9  }
0xcf: {  	s26 =	sadd.s32 $0x100, s26;
	v3 =	vld [tilespmem:s7+$0x15E20];
	[tilespmem:s14+$0x15E30] =	vst v7;
	v6 =	vmov v11;
	s14 =	smov.u32 s7  }
0xd0: {  	v7 =	vld [tilespmem:s14+$0x15E30];
	_ =	sdelay $0x1  }
0xd1: {  	v2 =	vadd.f32 v5, v2  }
0xd2: {  	v4 =	vadd.f32 v6, v4  }
0xd3: {  	s7 =	sadd.s32 s19, s10;
	[tilespmem:s14+$0x15E00] =	vst v2;
	v1 =	vadd.f32 v1, v3  }
0xd4: {  	s7 =	smul.u32 $0x640, s7;
	[tilespmem:s14+$0x15E10] =	vst v4;
	v0 =	vadd.f32 v0, v7  }
0xd5: {  	[tilespmem:s14+$0x15E20] =	vst v1  }
0xd6: {  	p0 =	sgt.u32 s12, $0x13;
	s7 =	sadd.s32 s2, s7;
	[tilespmem:s14+$0x15E30] =	vst v0  }
0xd7: {  	[hbm4b:s7+s4] =	stream.linear.scatter [tilespmem:s24], [sflag:$0xB], $0x3200, $0x38;
	[tilespmem:$0x1C200] =	vst v63  }
0xd8: {  	s7 =	simm.s32 @!p0 $0x9  }
0xd9: {  	_ =	swait.ge @!p0 [sflag:s7], $0x3200  }
0xda: {  	s26 =	simm.s32 @!p0 $0xFA00;
	[sflag:s7] =	ssyncset.done @!p0 $0x0  }
0xdb: {  	s14 =	simm.s32 @!p0 $0xC8;
	[sflag:s7] =	ssyncadd.s32 @!p0 $0xFFFFCE00;
	s7 =	sadd.s32 @!p0 $0x3840, s21  }
0xdc: {  	[tilespmem:s26], [sflag:$0x3] =	stream.indirect.gather @!p0 [hbm4b:s5+s14], $0x40, s7, s14, $0xb8;
	[tilespmem:$0x1C200] =	vst v63  }
0xdd: {  	_ =	swait.ge [sflag:s17], $0x3200  }
0xde: {  	[sflag:s17] =	ssyncset.done $0x0  }
0xdf: {  	s14 =	simm.s32 $0x0;
	[sflag:s17] =	ssyncadd.s32 $0xFFFFCE00  }
0xe0: {  	v5 =	vld [tilespmem:s14+$0x0]  }
0xe1: {  	v6 =	vld [tilespmem:s14+$0x10]  }
0xe2: {  	v1 =	vld [tilespmem:s14+$0x20]  }
0xe3: {  	v0 =	vld [tilespmem:s14+$0x30]  }
0xe4: {  	v2 =	vld [tilespmem:s14+$0x19000]  }
0xe5: {  	v4 =	vld [tilespmem:s14+$0x19010]  }
0xe6: {  	s26 =	simm.s32 $0x100;
	v3 =	vld [tilespmem:s14+$0x19020]  }
.LBB2_20:
0xe7: {  	s7 =	sshra.s32 s26, $0x2;
	p1 =	sne.s32 s26, $0xC700;
	v7 =	vld [tilespmem:s14+$0x19030];
	v8 =	vmov v1  }
0xe8: {  	v9 =	vld [tilespmem:s7+$0x0];
	v10 =	vmov v0  }
0xe9: {  	v11 =	vld [tilespmem:s7+$0x10];
	v2 =	vadd.f32 v5, v2  }
.Ltmp12:
0xea: {  	v1 =	vld [tilespmem:s7+$0x20];
	v4 =	vadd.f32 v6, v4;
	(pc) =	sbr.rel @p1 .LBB2_20-.Ltmp12, $4  }
0xeb: {  	v0 =	vld [tilespmem:s7+$0x30];
	[tilespmem:s14+$0x19000] =	vst v2;
	v3 =	vadd.f32 v8, v3  }
0xec: {  	v2 =	vld [tilespmem:s7+$0x19000];
	[tilespmem:s14+$0x19010] =	vst v4;
	v7 =	vadd.f32 v10, v7  }
0xed: {  	v4 =	vld [tilespmem:s7+$0x19010];
	[tilespmem:s14+$0x19020] =	vst v3;
	v5 =	vmov v9  }
0xee: {  	s26 =	sadd.s32 $0x100, s26;
	v3 =	vld [tilespmem:s7+$0x19020];
	[tilespmem:s14+$0x19030] =	vst v7;
	v6 =	vmov v11;
	s14 =	smov.u32 s7  }
0xef: {  	v7 =	vld [tilespmem:s14+$0x19030];
	_ =	sdelay $0x1  }
0xf0: {  	v2 =	vadd.f32 v5, v2  }
0xf1: {  	v4 =	vadd.f32 v6, v4  }
0xf2: {  	s7 =	sadd.s32 s19, s11;
	[tilespmem:s14+$0x19000] =	vst v2;
	v1 =	vadd.f32 v1, v3  }
0xf3: {  	s7 =	smul.u32 $0x640, s7;
	[tilespmem:s14+$0x19010] =	vst v4;
	v0 =	vadd.f32 v0, v7  }
0xf4: {  	[tilespmem:s14+$0x19020] =	vst v1  }
0xf5: {  	s7 =	sadd.s32 s2, s7;
	[tilespmem:s14+$0x19030] =	vst v0  }
0xf6: {  	[hbm4b:s7+s4] =	stream.linear.scatter [tilespmem:s28], [sflag:$0xC], $0x3200, $0x38;
	[tilespmem:$0x1C200] =	vst v63  }
0xf7: {  	s7 =	simm.s32 @!p0 $0xA  }
0xf8: {  	_ =	swait.ge @!p0 [sflag:s7], $0x3200  }
0xf9: {  	s19 =	simm.s32 @!p0 $0x12C00;
	s12 =	sadd.s32 $0x1, s12;
	[sflag:s7] =	ssyncset.done @!p0 $0x0  }
0xfa: {  	s14 =	simm.s32 @!p0 $0xC8;
	[sflag:s7] =	ssyncadd.s32 @!p0 $0xFFFFCE00;
	s7 =	sadd.s32 @!p0 $0x3908, s21  }
0xfb: {  	[tilespmem:s19], [sflag:$0x4] =	stream.indirect.gather @!p0 [hbm4b:s5+s14], $0x40, s7, s14, $0xb8;
	[tilespmem:$0x1C200] =	vst v63  }
0xfc: {  	p0 =	sne.s32 s12, $0x16  }
.Ltmp13:
0xfd: {  	_ = 	snop;
	(pc) =	sbr.rel @p0 .LBB2_2-.Ltmp13, $4  }
.Ltmp14:
0xfe: {  	_ = 	snop;
	(pc) =	sbr.rel @!p0 .LBB2_22-.Ltmp14, $4  }
0xff: {  	_ = 	snop  }
0x100: {  	_ = 	snop  }
0x101: {  	_ = 	snop  }
0x102: {  	_ = 	snop  }
.LBB2_23:
0x103: {  	_ =	sfence.sel $0x180000  }
0x104: {  	[bflag:$0x0] =	sbarrier.arrive $0xFFFF  }
0x105: {  	_ =	strace $0x90000047  }
0x106: {  	s0 =	stileid.u32;
	[bflag:$0x2] =	sbarrier.arrive $0xFFFF  }
0x107: {  	p0 =	sne.s32 s0, $0x0;
	s0 =	rddreg [dreg:$0x2]  }
0x108: {  	s0 =	sadd.s32 @!p0 $0x100000, s0  }
0x109: {  	[sflag:s0] =	ssyncadd.tile.s32 @!p0 $0x1;
	_ =	shalt  }
.Lfunc_end2:
_tile_overlayer_lowered:
.L_overlay_start_2:
0x10a: {  	(tag) =	ssettag $0x2  }
0x10b: {  	s0 =	rddreg [dreg:$0x0];
	s2 =	stileid.u32  }
0x10c: {  	s1 =	rddreg [dreg:$0x1];
	p0 =	sne.s32 s2, $0x0  }
0x10d: {  	s3 =	rddreg [dreg:$0x2];
	[bflag:$0x3] =	sbarrier.arrive $0xFFFF;
	s2 =	simm.s32 @!p0 $0x1C0D  }
0x10e: {  	[timem:s3], [sflag:s2] =	dma.local @!p0 [hbm:s0], s1  }
0x10f: {  	s0 =	simm.s32 @!p0 $0xD  }
0x110: {  	_ =	swait.ge @!p0 [sflag:s0], s1  }
0x111: {  	s1 =	ssub.s32 @!p0 $0x0, s1;
	[sflag:s0] =	ssyncset.done @!p0 $0x0  }
0x112: {  	[sflag:s0] =	ssyncadd.s32 @!p0 s1  }
0x113: {  	[bflag:$0x3] =	sbarrier.arrive $0xFFFF  }
0x114: {  	_ =	shalt  }

// kernel: sparse-core-data-format-call.cloned.1.call-start
scs
called_computation_lowered:
.L_overlay_start_0:
0x0: {  	s2 =	sld [smem:$0x3FD9]  }
0x1: {  	s3 =	sld [smem:$0x3FFE];
	_ =	sdelay $0x1  }
0x2: {  	s1 =	srdreg.scid  }
0x3: {  	s0 =	sand.u32 $0x1, s1  }
0x4: {  	s18 =	sshll.u32 s0, $0xA;
	s2 =	sadd.s32 s3, s2  }
0x5: {  	s2 =	sadd.s32 s2, s18  }
0x6: {  	[smem:$0x3FC5] =	sst s2  }
0x7: {  	_ = 	snop  }
0x8: {  	s2 =	sld [smem:$0x3FD0];
	(tm) =	ssettm $0x1  }
0x9: {  	s19 =	sld [smem:$0x3FFB];
	_ =	sdelay $0x3  }
0xa: {  	_ =	strace s19  }
0xb: {  	s3 =	sld [smem:$0x3FFC];
	_ =	sdelay $0x3  }
0xc: {  	_ =	strace s3  }
0xd: {  	s3 =	sld [smem:$0x3FFD];
	_ =	sdelay $0x3  }
0xe: {  	_ =	strace s3  }
0xf: {  	_ =	strace $0x8FFFFFFF  }
0x10: {  	s20 =	sld [smem:$0x3FDB];
	_ =	sdelay $0x1  }
0x11: {  	s4 =	simm.s32 $_scs_section_size  }
0x12: {  	s5 =	simm.s32 $_size__tile_overlayer_lowered;
	s6 =	simm.s32 $_tile_overlayer_lowered  }
0x13: {  	s23 =	simm.s32 $0x1BFF;
	s22 =	sshll.u32 s6, $0x1;
	s3 =	sadd.s32 s4, s20  }
0x14: {  	s7 =	simm.s32 $0x0;
	s21 =	sshll.u32 s5, $0x1;
	s5 =	sadd.s32 s22, s3  }
0x15: {  	[timem:s7], [sflag:s23] =	dma.local [hbm:s5], s21  }
0x16: {  	_ =	swait.ge [sflag:s23], s21  }
0x17: {  	s4 =	ssub.s32 $0x0, s21;
	[sflag:s23] =	ssyncset.done $0x0  }
0x18: {  	[sflag:s23] =	ssyncadd.s32 s4;
	_ =	sdelay $0x1  }
0x19: {  	s24 =	simm.s32 $0x1B8B  }
0x1a: {  	_ =	swait.ge [sflag:s24], $0x1  }
0x1b: {  	[sflag:s24] =	ssyncset.done $0x0  }
0x1c: {  	s26 =	simm.s32 $0x1B8E;
	s25 =	sld [smem:$0x3FFE];
	[sflag:s24] =	ssyncadd.s32 $0xFFFFFFFF  }
0x1d: {  	s27 =	simm.s32 $execute0_lowered;
	[smem:$0x3FD2] =	sst s26  }
0x1e: {  	s5 =	sshll.u32 s27, $0x1;
	_ =	strace $0x80000049;
	[dreg:$0x1] =	wrdreg $0xFFFFFFFF  }
0x1f: {  	s28 =	simm.s32 $_size_execute0_lowered;
	s3 =	sadd.s32 s3, s5;
	[dreg:$0x0] =	wrdreg $0x0  }
0x20: {  	s5 =	sshll.u32 s28, $0x1;
	[dreg:$0x2] =	wrdreg s3  }
0x21: {  	[dreg:$0x3] =	wrdreg s5  }
0x22: {  	[dreg:$0x4] =	wrdreg $0xC0  }
0x23: {  	_ =	task [dreg:s7], $0x5FFFF  }
0x24: {  	[dreg:$0x1] =	wrdreg $0xFFFFFFFF  }
0x25: {  	[dreg:$0x0] =	wrdreg $0x60  }
0x26: {  	[dreg:$0x2] =	wrdreg s25  }
0x27: {  	[dreg:$0x3] =	wrdreg s2  }
0x28: {  	[dreg:$0x4] =	wrdreg $0x9  }
0x29: {  	_ =	task.clear_ibuf [dreg:s7], $0x5FFFF;
	_ =	strace $0x90000049  }
0x2a: {  	s29 =	simm.s32 $0x9;
	_ =	strace $0x8000004B  }
0x2b: {  	_ =	swait.ge [sflag:s29], $0x1  }
0x2c: {  	[sflag:s29] =	ssyncadd.s32 $0xFFFFFFFF  }
0x2d: {  	_ =	strace $0x9000004B  }
0x2e: {  	_ =	sfence  }
0x2f: {  	s30 =	sld [smem:$0x0];
	_ =	sdelay $0x2  }
0x30: {  	s31 =	sshll.u32 s1, $0xD;
	s1 =	sshrl.u32 s1, $0x2  }
0x31: {  	s3 =	sand.u32 $0x4000, s31;
	s1 =	sadd.s32 s1, s30  }
0x32: {  	s0 =	sor.u32 s3, s0;
	s1 =	sshll.u32 s1, $0x11  }
0x33: {  	s0 =	sor.u32 s1, s0  }
0x34: {  	s0 =	sadd.s32 $0x8F2B, s0  }
0x35: {  	[sflag:s0] =	ssyncadd.remote.s32 $0x1  }
0x36: {  	_ =	sfence.sel $0xFFFF  }
0x37: {  	[dreg:$0x0] =	wrdreg $0xFFFFFFFF;
	(pc) =	sbr.abs _section_cstart, $3  }
0x38: {  	[dreg:$0x1] =	wrdreg $0xFFFFFFFF  }
0x39: {  	_ =	task.clear_ibuf [dreg:s7], $0x2FFFF;
	_ =	strace $0x9FFFFFFF  }
0x3a: {  	(tm) =	ssettm $0x7FFFFFFF  }
0x3b: {  	_ =	shalt  }
tec
execute0_lowered:
.L_overlay_start_1:
0x0: {  	(tag) =	ssettag $0x1  }
0x1: {  	s0 =	srdreg.scid  }
0x2: {  	s1 =	sshll.u32 s0, $0x4  }
0x3: {  	s0 =	stileid.u32;
	s1 =	sand.u32 $0x10, s1  }
0x4: {  	s1 =	sor.u32 s0, s1  }
0x5: {  	s6 =	rddreg [dreg:$0x0];
	s4 =	simm.s32 $0x1;
	s2 =	sshll.u32 s1, $0x7  }
0x6: {  	s7 =	simm.s32 $0x2;
	s12 =	simm.s32 $0x0;
	s1 =	ssub.s32 $0x1000, s2  }
0x7: {  	s8 =	simm.s32 $0x8000;
	s13 =	simm.s32 $0x0;
	s3 =	sand.u32 $0xF80, s1  }
0x8: {  	s9 =	simm.s32 $0x0;
	s5 =	sshrl.u32 s1, $0xC;
	p0 =	sne.s32 s3, $0x0  }
.Ltmp0:
0x9: {  	s1 =	rddreg [dreg:$0x2];
	s4 =	simm.s32 @!p0 $0x0;
	(pc) =	sbr.rel .LBB1_1-.Ltmp0, $4  }
0xa: {  	s11 =	simm.s32 $0x0;
	s3 =	rddreg [dreg:$0x1];
	s5 =	sadd.s32 s4, s5  }
0xb: {  	_ =	strace $0x8000004A;
	s4 =	simm.s32 $0x1;
	s5 =	smul.u32 $0xC8, s5  }
0xc: {  	s6 =	sadd.s32 $0xC00, s6;
	s10 =	smov.u32 s2;
	[sflag:s4] =	ssyncpa.u1 $0x0  }
0xd: {  	p0 =	por $0x0, $0x0;
	[sflag:s7] =	ssyncpa.u1 $0x0;
	s7 =	sor.u32 $0x1, s5  }
.LBB1_4:
0xe: {  	s16 =	sshll.u32 s13, $0x3;
	s17 =	sand.u32 $0x78, s13  }
0xf: {  	s30 =	sand.u32 $0x7E00, s13;
	s12 =	sshll.u32 s12, $0xF;
	s16 =	sand.u32 $0xC00, s16  }
0x10: {  	[tilespmem:s15+$0x810 ss:$0x81] =	vst.msk $0xffff, v2;
	s31 =	sand.u32 $0x7, s13;
	s16 =	sor.u32 s17, s16;
	s17 =	sadd.s32 s3, s30  }
0x11: {  	[tilespmem:s15+$0x1020 ss:$0x81] =	vst.msk $0xffff, v0;
	s13 =	sshll.u32 s31, $0x12;
	s12 =	sadd.s32 s12, s17;
	s16 =	sshrl.u32 s16, $0x3  }
0x12: {  	[tilespmem:s15+$0x0 ss:$0x81] =	vst.msk $0xffff, v1;
	s13 =	sor.u32 $0x400, s13;
	s12 =	sadd.s32 s16, s12  }
0x13: {  	[hbm4b:s12+s13] =	stream.strided.scatter [tilespmem:s14], [sflag:$0x2], $0x2000, s8, s13, $0x20;
	[tilespmem:$0x8080] =	vst v63  }
.LBB1_5:
0x14: {  	s14 =	sadd.s32 $0x1, s9  }
0x15: {  	s12 =	sadd.s32 $0x1000, s10;
	s16 =	smov.u32 s10;
	p2 =	sgt.s32 s14, $0xC7  }
0x16: {  	s16 =	smov.u32 @p2 s12  }
0x17: {  	s14 =	simm.s32 @p2 $0x0;
	p2 =	sgt.s32 s16, $0xFFF  }
0x18: {  	s16 =	smov.u32 @p2 s2;
	p2 =	sne.s32 s11, s7  }
.Ltmp1:
0x19: {  	p1 =	slt.u32 s11, $0x2;
	(pc) =	sbr.rel @!p2 .LBB1_6-.Ltmp1, $4  }
0x1a: {  	s15 =	simm.s32 @!p1 $0x2  }
0x1b: {  	s13 =	smov.u32 s10;
	p0 =	por !p0, !p0;
	_ =	swait.ge @!p1 [sflag:s15], $0x2000  }
0x1c: {  	s12 =	smov.u32 s9;
	[sflag:s15] =	ssyncset.done @!p1 $0x0;
	s9 =	smov.u32 s14  }
0x1d: {  	s11 =	sadd.s32 $0x1, s11;
	[sflag:s15] =	ssyncadd.s32 @!p1 $0xFFFFE000;
	s10 =	smov.u32 s16  }
.LBB1_1:
0x1e: {  	p1 =	sge.u32 s11, s5  }
0x1f: {  	s14 =	sand.u32 @!p1 $0x1FFFFFF, s9  }
0x20: {  	s15 =	smulhi.u32 @!p1 $0x147AE15, s14;
	_ =	sdelay $0x1  }
0x21: {  	s15 =	smul.u32 @!p1 $0xC8, s15  }
0x22: {  	s16 =	sxor.u32 @!p1 $0xFFFFFFFF, s11;
	s17 =	smul.u32 @!p1 $0xC80, s10  }
0x23: {  	s31 =	sadd.s32 $0xFFFFFFFF, s11;
	s16 =	sshll.u32 @!p1 s16, $0xD;
	s14 =	ssub.s32 @!p1 s14, s15  }
0x24: {  	s15 =	sand.u32 @!p1 $0x2000, s16;
	s16 =	sadd.s32 @!p1 s6, s17;
	s14 =	sshll.u32 @!p1 s14, $0x4  }
0x25: {  	s17 =	simm.s32 @!p1 $0x6400;
	s14 =	sadd.s32 @!p1 s14, s16;
	s16 =	simm.s32 @!p1 $0x40  }
0x26: {  	[tilespmem:s15], [sflag:$0x1] =	stream.strided.gather @!p1 [hbm4b:s14+s16], $0x2000, s17, s16, $0x38;
	[tilespmem:$0x8080] =	vst v63  }
0x27: {  	p1 =	sge.u32 s31, s5  }
.Ltmp2:
0x28: {  	_ = 	snop;
	(pc) =	sbr.rel @p1 .LBB1_5-.Ltmp2, $1  }
0x29: {  	_ =	sdelay $0x3  }
0x2a: {  	s14 =	simm.s32 $0x1  }
0x2b: {  	_ =	swait.ge [sflag:s4], $0x2000;
	s14 =	simm.s32 @!p0 $0x0  }
0x2c: {  	[sflag:s4] =	ssyncset.done $0x0;
	s15 =	sshll.u32 s14, $0xD  }
0x2d: {  	[sflag:s4] =	ssyncadd.s32 $0xFFFFE000;
	s18 =	sor.u32 $0x20, s15  }
0x2e: {  	s14 =	smul.u32 $0x8100, s14;
	v3 =	vld [tilespmem:s18+$0x10]  }
0x2f: {  	s30 =	sand.u32 $0x1, s11;
	v2 =	vld [tilespmem:s18+$0xFFFFFFF0]  }
0x30: {  	s15 =	smul.u32 $0x8100, s30;
	s14 =	sshrl.u32 s14, $0x2;
	v0 =	vld [tilespmem:s18+$0x0]  }
0x31: {  	v1 =	vld [tilespmem:s18+$0xFFFFFFE0];
	s16 =	sor.u32 $0x4000, s14  }
0x32: {  	s31 =	sshrl.u32 s15, $0x2;
	s15 =	sadd.s32 $0x0, s16  }
0x33: {  	s17 =	simm.s32 $0x4;
	s18 =	sadd.s32 $0x40, s18;
	s14 =	sor.u32 $0x4000, s31;
	[tilespmem:s15+$0x1830 ss:$0x81] =	vst.msk $0xffff, v3  }
.LBB1_3:
0x34: {  	v3 =	vld [tilespmem:s18+$0x10];
	p1 =	sne.s32 s17, $0x1FC;
	[tilespmem:s15+$0x810 ss:$0x81] =	vst.msk $0xffff, v2;
	s19 =	smov.u32 s17;
	s17 =	sadd.s32 $0x4, s17  }
.Ltmp3:
0x35: {  	v2 =	vld [tilespmem:s18+$0xFFFFFFF0];
	[tilespmem:s15+$0x1020 ss:$0x81] =	vst.msk $0xffff, v0;
	(pc) =	sbr.rel @p1 .LBB1_3-.Ltmp3, $4  }
0x36: {  	v0 =	vld [tilespmem:s18+$0x0];
	[tilespmem:s15+$0x0 ss:$0x81] =	vst.msk $0xffff, v1  }
0x37: {  	s15 =	sshra.s32 s19, $0x2;
	v1 =	vld [tilespmem:s18+$0xFFFFFFE0]  }
0x38: {  	s15 =	sadd.s32 s15, s16  }
0x39: {  	s18 =	sadd.s32 $0x40, s18;
	[tilespmem:s15+$0x1830 ss:$0x81] =	vst.msk $0xffff, v3  }
.Ltmp4:
0x3a: {  	_ = 	snop;
	(pc) =	sbr.rel .LBB1_4-.Ltmp4, $1  }
0x3b: {  	_ =	sdelay $0x3  }
.LBB1_6:
0x3c: {  	_ =	sfence.sel $0x180000  }
0x3d: {  	s2 =	simm.s32 $0x1;
	[bflag:$0x0] =	sbarrier.arrive $0xFFFF  }
0x3e: {  	s31 =	simm.s32 $0x2;
	[sflag:s2] =	ssyncpa.u1 $0x1  }
0x3f: {  	[sflag:s31] =	ssyncpa.u1 $0x1  }
0x40: {  	p0 =	sne.s32 s0, $0x0;
	_ =	strace $0x9000004A  }
0x41: {  	s0 =	sadd.s32 @!p0 $0x100000, s1;
	[bflag:$0x2] =	sbarrier.arrive $0xFFFF  }
0x42: {  	[sflag:s0] =	ssyncadd.tile.s32 @!p0 $0x1;
	_ =	shalt  }
.Lfunc_end1:
_tile_overlayer_lowered:
.L_overlay_start_2:
0x43: {  	(tag) =	ssettag $0x2  }
0x44: {  	s0 =	rddreg [dreg:$0x0];
	s2 =	stileid.u32  }
0x45: {  	s1 =	rddreg [dreg:$0x1];
	p0 =	sne.s32 s2, $0x0  }
0x46: {  	s3 =	rddreg [dreg:$0x2];
	[bflag:$0x3] =	sbarrier.arrive $0xFFFF;
	s2 =	simm.s32 @!p0 $0x1C01  }
0x47: {  	[timem:s3], [sflag:s2] =	dma.local @!p0 [hbm:s0], s1  }
0x48: {  	s0 =	simm.s32 @!p0 $0x1  }
0x49: {  	_ =	swait.ge @!p0 [sflag:s0], s1  }
0x4a: {  	s1 =	ssub.s32 @!p0 $0x0, s1;
	[sflag:s0] =	ssyncset.done @!p0 $0x0  }
0x4b: {  	[sflag:s0] =	ssyncadd.s32 @!p0 s1  }
0x4c: {  	[bflag:$0x3] =	sbarrier.arrive $0xFFFF  }
0x4d: {  	_ =	shalt  }

</sc_bundles>
